<compile_context>
chip_gen: v7x
topology: tpu7x:2x2x1
jax: 0.10.2.dev20260603
libtpu: 0.0.44.dev20260713+nightly
codegen_flags: <defaults>
</compile_context>

<pallas_src>
import functools

import jax
import jax.numpy as jnp
import numpy as np
from jax import lax
from jax.experimental import pallas as pl
from jax.experimental.pallas import tpu as pltpu
from jax.experimental.pallas import tpu_sc as plsc

B, S, E, C = 4096, 50, 64, 100
VOCAB = 1000000
SP = 128
NC, NS, L = 2, 16, 16
NW = NC * NS
BPW = B // NW
CB = 4
NCHUNK = BPW // CB
CTOK = CB * S
EW = 128
G = 56

_mesh = plsc.VectorSubcoreMesh(core_axis_name="c", subcore_axis_name="s")


@functools.partial(
    pl.kernel,
    out_type=jax.ShapeDtypeStruct((B * E,), jnp.float32),
    mesh=_mesh,
    scratch_types=[
        pltpu.VMEM((BPW * SP,), jnp.int32),
        pltpu.VMEM((BPW * E,), jnp.int32),
        pltpu.VMEM((CB * G, EW), jnp.float32),
        pltpu.VMEM((CB * G, EW), jnp.float32),
        pltpu.VMEM((BPW * E,), jnp.float32),
        pltpu.SemaphoreType.DMA,
        pltpu.SemaphoreType.DMA,
    ],
)
def _sc_bag_sum(
    ids_hbm, table_hbm, out_hbm,
    idx_v, cid_v, rows0, rows1, acc_v, sem_g0, sem_g1,
):
    wid = lax.axis_index("s") * NC + lax.axis_index("c")
    pltpu.sync_copy(ids_hbm.at[pl.ds(wid * (BPW * SP), BPW * SP)], idx_v)

    def compact_body(g, carry):
        for v in range(4):
            cid_v[pl.ds(g * E + v * L, L)] = idx_v[pl.ds(g * SP + v * L, L)]
        return carry

    lax.fori_loop(0, BPW, compact_body, 0)

    def enqueue_chunk(c, rows, sem):
        for bi in range(CB):
            idx_sl = cid_v.at[pl.ds((c * CB + bi) * E, S)]
            pltpu.async_copy(
                table_hbm.at[idx_sl], rows.at[pl.ds(bi * G, S), :], sem
            )

    def drain_chunk(rows, sem):
        pltpu.make_async_copy(
            table_hbm.at[pl.ds(0, CTOK), :],
            rows.at[pl.ds(0, CTOK), :],
            sem,
        ).wait()

    def accum_chunk(c, rows):
        for bi in range(CB):
            rb = bi * G

            def tok_body(j, accs):
                r = rb + j * 2
                accs = tuple(
                    accs[v] + rows[r, pl.ds(v * L, L)] for v in range(4)
                )
                return tuple(
                    accs[v] + rows[r + 1, pl.ds(v * L, L)] for v in range(4)
                )

            zero = jnp.zeros((L,), jnp.float32)
            accs = lax.fori_loop(0, S // 2, tok_body, (zero,) * 4)
            bout = (c * CB + bi) * E
            for v in range(4):
                acc_v[pl.ds(bout + v * L, L)] = accs[v]

    enqueue_chunk(0, rows0, sem_g0)

    def pair_body(p, carry):
        c0 = p * 2
        more = c0 + 2 < NCHUNK

        enqueue_chunk(c0 + 1, rows1, sem_g1)

        drain_chunk(rows0, sem_g0)
        accum_chunk(c0, rows0)

        @pl.when(more)
        def _():
            enqueue_chunk(c0 + 2, rows0, sem_g0)

        drain_chunk(rows1, sem_g1)
        accum_chunk(c0 + 1, rows1)
        return carry

    lax.fori_loop(0, NCHUNK // 2, pair_body, 0)
    pltpu.sync_copy(acc_v, out_hbm.at[pl.ds(wid * (BPW * E), BPW * E)])


_TT_NB = 4096
_TT_GRID = (VOCAB + _TT_NB - 1) // _TT_NB


def _tc_transpose_body(tin_ref, out_ref):
    a = tin_ref[...]
    i = lax.broadcasted_iota(jnp.int32, (E, EW), 0)
    j = lax.broadcasted_iota(jnp.int32, (E, EW), 1)
    eye = (i == j).astype(jnp.float32)
    out_ref[...] = lax.dot_general(
        a, eye, (((0,), (0,)), ((), ())), preferred_element_type=jnp.float32
    )


def _tc_head_body(ids_ref, sums_ref, t01_ref, w_ref, b_ref, out_ref):
    ids = ids_ref[...]
    n0 = jnp.sum((ids == 0).astype(jnp.float32), axis=1, keepdims=True)
    n1 = jnp.sum((ids == 1).astype(jnp.float32), axis=1, keepdims=True)
    agg = (sums_ref[...] - n0 * t01_ref[0:1] - n1 * t01_ref[1:2]) / (
        jnp.float32(S) - n0 - n1
    )
    out_ref[...] = (
        jnp.dot(agg, w_ref[...], preferred_element_type=jnp.float32) + b_ref[...]
    )


@jax.jit
def kernel(input_ids, emb_table, fc_w, fc_b):
    ids = input_ids.astype(jnp.int32)
    ids_pad = jnp.pad(ids, ((0, 0), (0, SP - S)))
    table_rm = pl.pallas_call(
        _tc_transpose_body,
        out_shape=jax.ShapeDtypeStruct((VOCAB, EW), jnp.float32),
        grid=(_TT_GRID,),
        in_specs=[pl.BlockSpec((E, _TT_NB), lambda j: (0, j))],
        out_specs=pl.BlockSpec((_TT_NB, EW), lambda j: (j, 0)),
    )(emb_table.T)
    sums = _sc_bag_sum(ids_pad.reshape(-1), table_rm).reshape(B, E)
    logits = pl.pallas_call(
        _tc_head_body,
        out_shape=jax.ShapeDtypeStruct((B, C), jnp.float32),
    )(ids, sums, table_rm[0:2, 0:E], fc_w, fc_b.reshape(1, C))
    return logits

# --- scband reference (transcript-rebuilt; emitter-appended) ---
"""Pipeline reference for scband-lid-scl-60284160966934 (READ-ONLY COPY).

The authoritative reference and input builder live on the scoring server;
editing this copy changes nothing except your own understanding.
"""

import jax, jax.numpy as jnp
import numpy as np

VOCAB = 1000000
EMB = 64
NUM_CLASSES = 100
UNK_ID = 0
PAD_ID = 1
BATCH = 4096
SEQ = 50


def setup_inputs(seed: int = 0) -> dict:
    key = jax.random.key(seed)
    k1, k2, k3, k4 = jax.random.split(key, 4)
    input_ids = jax.random.randint(k1, (BATCH, SEQ), 0, VOCAB, dtype=jnp.int64 if jax.config.jax_enable_x64 else jnp.int32)
    emb_table = jax.random.normal(k2, (VOCAB, EMB), dtype=jnp.float32) * 0.02
    fc_w = jax.random.normal(k3, (EMB, NUM_CLASSES), dtype=jnp.float32) * 0.02
    fc_b = jnp.zeros((NUM_CLASSES,), dtype=jnp.float32)
    return {"input_ids": input_ids, "emb_table": emb_table, "fc_w": fc_w, "fc_b": fc_b}


def reference(input_ids, emb_table, fc_w, fc_b):
    # mask out unk/pad tokens
    mask = jnp.logical_not((input_ids == UNK_ID) | (input_ids == PAD_ID)).astype(jnp.float32)  # [B, S]
    embeddings = jnp.take(emb_table, input_ids, axis=0)  # [B, S, E] gather
    # mean aggregation over valid tokens
    summed = jnp.sum(embeddings * mask[..., None], axis=1)  # [B, E]
    agg = summed / jnp.sum(mask, axis=1, keepdims=True)  # [B, E]
    logits = agg @ fc_w + fc_b  # [B, C]
    return logits

if __name__ == "__main__":
    import jax
    _d = setup_inputs()
    print(jax.jit(kernel)(*tuple(_d.values())))

</pallas_src>

<mosaic_0001>
#map = affine_map<(d0, d1) -> (0)>
#map1 = affine_map<(d0, d1) -> (0, 0)>
module attributes {stable_mosaic.version = 14 : i64} {
  func.func @_sc_bag_sum(%arg0: i32, %arg1: i32, %arg2: memref<524288xi32, #tpu.memory_space<hbm>>, %arg3: memref<1000000x128xf32, #tpu.memory_space<hbm>>, %arg4: memref<262144xf32, #tpu.memory_space<hbm>>, %arg5: memref<16384xi32, #tpu.memory_space<vmem>>, %arg6: memref<8192xi32, #tpu.memory_space<vmem>>, %arg7: memref<224x128xf32, #tpu.memory_space<vmem>>, %arg8: memref<224x128xf32, #tpu.memory_space<vmem>>, %arg9: memref<8192xf32, #tpu.memory_space<vmem>>, %arg10: memref<!tpu.dma_semaphore, #tpu.memory_space<semaphore_mem>>, %arg11: memref<!tpu.dma_semaphore, #tpu.memory_space<semaphore_mem>>) attributes {dimension_semantics = [#tpu.dimension_semantics<core_parallel>, #tpu.dimension_semantics<subcore_parallel>], iteration_bounds = array<i64: 2, 16>, scalar_prefetch = 0 : i64, scratch_operands = 7 : i64, tpu.core_type = #tpu.core_type<sc_vector_subcore>, window_params = [{transform_indices = #map}, {transform_indices = #map1}, {transform_indices = #map}]} {
    %mul3A = arith.constant 2 : i32
    %mul3A_0 = arith.muli %arg1, %mul3A : i32
    %add3A = arith.addi %mul3A_0, %arg0 : i32
    %mul3A_1 = arith.constant 16384 : i32
    %mul3A_2 = arith.muli %add3A, %mul3A_1 : i32
    "tpu.region"() ({
      %run_scoped3A = tpu.sem_alloc : memref<!tpu.dma_semaphore, #tpu.memory_space<semaphore_mem>>
      %dma_start3A_47 = tpu.memref_slice %arg2[%mul3A_2] : memref<524288xi32, #tpu.memory_space<hbm>> -> memref<16384xi32, #tpu.memory_space<hbm>>
      %dma_start3A_48 = tpu.memref_slice %arg2[%mul3A_2] : memref<524288xi32, #tpu.memory_space<hbm>> -> memref<16384xi32, #tpu.memory_space<hbm>>
      tpu.enqueue_dma source(%dma_start3A_48 : memref<16384xi32, #tpu.memory_space<hbm>>) target(%arg5 : memref<16384xi32, #tpu.memory_space<vmem>>) target_semaphore(%run_scoped3A : memref<!tpu.dma_semaphore, #tpu.memory_space<semaphore_mem>>)
      %dma_wait3A = tpu.memref_slice %arg2[%mul3A_2] : memref<524288xi32, #tpu.memory_space<hbm>> -> memref<16384xi32, #tpu.memory_space<hbm>>
      %dma_wait3A_49 = tpu.memref_slice %arg2[%mul3A_2] : memref<524288xi32, #tpu.memory_space<hbm>> -> memref<16384xi32, #tpu.memory_space<hbm>>
      tpu.wait_dma2 semaphore(%run_scoped3A : memref<!tpu.dma_semaphore, #tpu.memory_space<semaphore_mem>>) src(%dma_wait3A_49 : memref<16384xi32, #tpu.memory_space<hbm>>) dst(%arg5 : memref<16384xi32, #tpu.memory_space<vmem>>)
      tpu.yield
    }) : () -> ()
    %scan3A = arith.constant 0 : i32
    %scan3A_3 = arith.constant 0 : i32
    %scan3A_4 = arith.constant 128 : i32
    %scan3A_5 = arith.addi %scan3A_3, %scan3A_4 : i32
    %scan3A_6 = arith.constant 1 : i32
    scf.for %scan3A_47 = %scan3A_3 to %scan3A_5 step %scan3A_6  : i32 {
      %mul3A_48 = arith.constant 128 : i32
      %mul3A_49 = arith.muli %scan3A_47, %mul3A_48 : i32
      %add3A_50 = arith.constant 0 : i32
      %add3A_51 = arith.addi %mul3A_49, %add3A_50 : i32
      %get3A = arith.index_cast %add3A_51 : i32 to index
      %get3A_52 = tpu.vector_load %arg5[%get3A] {strides = array<i32>} : memref<16384xi32, #tpu.memory_space<vmem>>, vector<16xi32>,
      %get3A_53 = vector.shape_cast %get3A_52 : vector<16xi32> to vector<16xi32>
      %mul3A_54 = arith.constant 64 : i32
      %mul3A_55 = arith.muli %scan3A_47, %mul3A_54 : i32
      %add3A_56 = arith.constant 0 : i32
      %add3A_57 = arith.addi %mul3A_55, %add3A_56 : i32
      %swap3A = arith.index_cast %add3A_57 : i32 to index
      %swap3A_58 = tpu.vector_load %arg6[%swap3A] {strides = array<i32>} : memref<8192xi32, #tpu.memory_space<vmem>>, vector<16xi32>,
      %swap3A_59 = vector.shape_cast %swap3A_58 : vector<16xi32> to vector<16xi32>
      %swap3A_60 = vector.shape_cast %get3A_53 : vector<16xi32> to vector<16xi32>
      tpu.vector_store %arg6[%swap3A], %swap3A_60 {strides = array<i32>} : memref<8192xi32, #tpu.memory_space<vmem>>, vector<16xi32>,
      %mul3A_61 = arith.constant 128 : i32
      %mul3A_62 = arith.muli %scan3A_47, %mul3A_61 : i32
      %add3A_63 = arith.constant 16 : i32
      %add3A_64 = arith.addi %mul3A_62, %add3A_63 : i32
      %get3A_65 = arith.index_cast %add3A_64 : i32 to index
      %get3A_66 = tpu.vector_load %arg5[%get3A_65] {strides = array<i32>} : memref<16384xi32, #tpu.memory_space<vmem>>, vector<16xi32>,
      %get3A_67 = vector.shape_cast %get3A_66 : vector<16xi32> to vector<16xi32>
      %mul3A_68 = arith.constant 64 : i32
      %mul3A_69 = arith.muli %scan3A_47, %mul3A_68 : i32
      %add3A_70 = arith.constant 16 : i32
      %add3A_71 = arith.addi %mul3A_69, %add3A_70 : i32
      %swap3A_72 = arith.index_cast %add3A_71 : i32 to index
      %swap3A_73 = tpu.vector_load %arg6[%swap3A_72] {strides = array<i32>} : memref<8192xi32, #tpu.memory_space<vmem>>, vector<16xi32>,
      %swap3A_74 = vector.shape_cast %swap3A_73 : vector<16xi32> to vector<16xi32>
      %swap3A_75 = vector.shape_cast %get3A_67 : vector<16xi32> to vector<16xi32>
      tpu.vector_store %arg6[%swap3A_72], %swap3A_75 {strides = array<i32>} : memref<8192xi32, #tpu.memory_space<vmem>>, vector<16xi32>,
      %mul3A_76 = arith.constant 128 : i32
      %mul3A_77 = arith.muli %scan3A_47, %mul3A_76 : i32
      %add3A_78 = arith.constant 32 : i32
      %add3A_79 = arith.addi %mul3A_77, %add3A_78 : i32
      %get3A_80 = arith.index_cast %add3A_79 : i32 to index
      %get3A_81 = tpu.vector_load %arg5[%get3A_80] {strides = array<i32>} : memref<16384xi32, #tpu.memory_space<vmem>>, vector<16xi32>,
      %get3A_82 = vector.shape_cast %get3A_81 : vector<16xi32> to vector<16xi32>
      %mul3A_83 = arith.constant 64 : i32
      %mul3A_84 = arith.muli %scan3A_47, %mul3A_83 : i32
      %add3A_85 = arith.constant 32 : i32
      %add3A_86 = arith.addi %mul3A_84, %add3A_85 : i32
      %swap3A_87 = arith.index_cast %add3A_86 : i32 to index
      %swap3A_88 = tpu.vector_load %arg6[%swap3A_87] {strides = array<i32>} : memref<8192xi32, #tpu.memory_space<vmem>>, vector<16xi32>,
      %swap3A_89 = vector.shape_cast %swap3A_88 : vector<16xi32> to vector<16xi32>
      %swap3A_90 = vector.shape_cast %get3A_82 : vector<16xi32> to vector<16xi32>
      tpu.vector_store %arg6[%swap3A_87], %swap3A_90 {strides = array<i32>} : memref<8192xi32, #tpu.memory_space<vmem>>, vector<16xi32>,
      %mul3A_91 = arith.constant 128 : i32
      %mul3A_92 = arith.muli %scan3A_47, %mul3A_91 : i32
      %add3A_93 = arith.constant 48 : i32
      %add3A_94 = arith.addi %mul3A_92, %add3A_93 : i32
      %get3A_95 = arith.index_cast %add3A_94 : i32 to index
      %get3A_96 = tpu.vector_load %arg5[%get3A_95] {strides = array<i32>} : memref<16384xi32, #tpu.memory_space<vmem>>, vector<16xi32>,
      %get3A_97 = vector.shape_cast %get3A_96 : vector<16xi32> to vector<16xi32>
      %mul3A_98 = arith.constant 64 : i32
      %mul3A_99 = arith.muli %scan3A_47, %mul3A_98 : i32
      %add3A_100 = arith.constant 48 : i32
      %add3A_101 = arith.addi %mul3A_99, %add3A_100 : i32
      %swap3A_102 = arith.index_cast %add3A_101 : i32 to index
      %swap3A_103 = tpu.vector_load %arg6[%swap3A_102] {strides = array<i32>} : memref<8192xi32, #tpu.memory_space<vmem>>, vector<16xi32>,
      %swap3A_104 = vector.shape_cast %swap3A_103 : vector<16xi32> to vector<16xi32>
      %swap3A_105 = vector.shape_cast %get3A_97 : vector<16xi32> to vector<16xi32>
      tpu.vector_store %arg6[%swap3A_102], %swap3A_105 {strides = array<i32>} : memref<8192xi32, #tpu.memory_space<vmem>>, vector<16xi32>,
    }
    %scan3A_7 = arith.constant 128 : i32
    %dma_start3A = arith.constant 0 : i32
    %dma_start3A_8 = arith.constant 0 : i32
    %dma_start3A_9 = tpu.memref_slice %arg7[%dma_start3A, %dma_start3A_8] : memref<224x128xf32, #tpu.memory_space<vmem>> -> memref<50x128xf32, #tpu.memory_space<vmem>>
    %dma_start3A_10 = arith.constant 0 : i32
    %dma_start3A_11 = tpu.memref_slice %arg6[%dma_start3A_10] : memref<8192xi32, #tpu.memory_space<vmem>> -> memref<50xi32, #tpu.memory_space<vmem>>
    %dma_start3A_12 = arith.constant 0 : i32
    %dma_start3A_13 = arith.constant 0 : i32
    %dma_start3A_14 = tpu.memref_slice %arg3[%dma_start3A_12, %dma_start3A_13] : memref<1000000x128xf32, #tpu.memory_space<hbm>> -> memref<1000000x128xf32, #tpu.memory_space<hbm>>
    tpu.enqueue_indirect_dma source(%dma_start3A_14 : memref<1000000x128xf32, #tpu.memory_space<hbm>>) target(%dma_start3A_9 : memref<50x128xf32, #tpu.memory_space<vmem>>) offsets(%dma_start3A_11 : memref<50xi32, #tpu.memory_space<vmem>>) semaphore(%arg10 : memref<!tpu.dma_semaphore, #tpu.memory_space<semaphore_mem>>)
    %dma_start3A_15 = arith.constant 56 : i32
    %dma_start3A_16 = arith.constant 0 : i32
    %dma_start3A_17 = tpu.memref_slice %arg7[%dma_start3A_15, %dma_start3A_16] : memref<224x128xf32, #tpu.memory_space<vmem>> -> memref<50x128xf32, #tpu.memory_space<vmem>>
    %dma_start3A_18 = arith.constant 64 : i32
    %dma_start3A_19 = tpu.memref_slice %arg6[%dma_start3A_18] : memref<8192xi32, #tpu.memory_space<vmem>> -> memref<50xi32, #tpu.memory_space<vmem>>
    %dma_start3A_20 = arith.constant 0 : i32
    %dma_start3A_21 = arith.constant 0 : i32
    %dma_start3A_22 = tpu.memref_slice %arg3[%dma_start3A_20, %dma_start3A_21] : memref<1000000x128xf32, #tpu.memory_space<hbm>> -> memref<1000000x128xf32, #tpu.memory_space<hbm>>
    tpu.enqueue_indirect_dma source(%dma_start3A_22 : memref<1000000x128xf32, #tpu.memory_space<hbm>>) target(%dma_start3A_17 : memref<50x128xf32, #tpu.memory_space<vmem>>) offsets(%dma_start3A_19 : memref<50xi32, #tpu.memory_space<vmem>>) semaphore(%arg10 : memref<!tpu.dma_semaphore, #tpu.memory_space<semaphore_mem>>)
    %dma_start3A_23 = arith.constant 112 : i32
    %dma_start3A_24 = arith.constant 0 : i32
    %dma_start3A_25 = tpu.memref_slice %arg7[%dma_start3A_23, %dma_start3A_24] : memref<224x128xf32, #tpu.memory_space<vmem>> -> memref<50x128xf32, #tpu.memory_space<vmem>>
    %dma_start3A_26 = arith.constant 128 : i32
    %dma_start3A_27 = tpu.memref_slice %arg6[%dma_start3A_26] : memref<8192xi32, #tpu.memory_space<vmem>> -> memref<50xi32, #tpu.memory_space<vmem>>
    %dma_start3A_28 = arith.constant 0 : i32
    %dma_start3A_29 = arith.constant 0 : i32
    %dma_start3A_30 = tpu.memref_slice %arg3[%dma_start3A_28, %dma_start3A_29] : memref<1000000x128xf32, #tpu.memory_space<hbm>> -> memref<1000000x128xf32, #tpu.memory_space<hbm>>
    tpu.enqueue_indirect_dma source(%dma_start3A_30 : memref<1000000x128xf32, #tpu.memory_space<hbm>>) target(%dma_start3A_25 : memref<50x128xf32, #tpu.memory_space<vmem>>) offsets(%dma_start3A_27 : memref<50xi32, #tpu.memory_space<vmem>>) semaphore(%arg10 : memref<!tpu.dma_semaphore, #tpu.memory_space<semaphore_mem>>)
    %dma_start3A_31 = arith.constant 168 : i32
    %dma_start3A_32 = arith.constant 0 : i32
    %dma_start3A_33 = tpu.memref_slice %arg7[%dma_start3A_31, %dma_start3A_32] : memref<224x128xf32, #tpu.memory_space<vmem>> -> memref<50x128xf32, #tpu.memory_space<vmem>>
    %dma_start3A_34 = arith.constant 192 : i32
    %dma_start3A_35 = tpu.memref_slice %arg6[%dma_start3A_34] : memref<8192xi32, #tpu.memory_space<vmem>> -> memref<50xi32, #tpu.memory_space<vmem>>
    %dma_start3A_36 = arith.constant 0 : i32
    %dma_start3A_37 = arith.constant 0 : i32
    %dma_start3A_38 = tpu.memref_slice %arg3[%dma_start3A_36, %dma_start3A_37] : memref<1000000x128xf32, #tpu.memory_space<hbm>> -> memref<1000000x128xf32, #tpu.memory_space<hbm>>
    tpu.enqueue_indirect_dma source(%dma_start3A_38 : memref<1000000x128xf32, #tpu.memory_space<hbm>>) target(%dma_start3A_33 : memref<50x128xf32, #tpu.memory_space<vmem>>) offsets(%dma_start3A_35 : memref<50xi32, #tpu.memory_space<vmem>>) semaphore(%arg10 : memref<!tpu.dma_semaphore, #tpu.memory_space<semaphore_mem>>)
    %scan3A_39 = arith.constant 0 : i32
    %scan3A_40 = arith.constant 0 : i32
    %scan3A_41 = arith.constant 16 : i32
    %scan3A_42 = arith.addi %scan3A_40, %scan3A_41 : i32
    %scan3A_43 = arith.constant 1 : i32
    scf.for %scan3A_47 = %scan3A_40 to %scan3A_42 step %scan3A_43  : i32 {
      %mul3A_48 = arith.constant 2 : i32
      %mul3A_49 = arith.muli %scan3A_47, %mul3A_48 : i32
      %add3A_50 = arith.constant 2 : i32
      %add3A_51 = arith.addi %mul3A_49, %add3A_50 : i32
      %lt3A = arith.constant 32 : i32
      %lt3A_52 = arith.cmpi slt, %add3A_51, %lt3A : i32
      %add3A_53 = arith.constant 1 : i32
      %add3A_54 = arith.addi %mul3A_49, %add3A_53 : i32
      %mul3A_55 = arith.constant 4 : i32
      %mul3A_56 = arith.muli %add3A_54, %mul3A_55 : i32
      %add3A_57 = arith.constant 0 : i32
      %add3A_58 = arith.addi %mul3A_56, %add3A_57 : i32
      %mul3A_59 = arith.constant 64 : i32
      %mul3A_60 = arith.muli %add3A_58, %mul3A_59 : i32
      %dma_start3A_61 = arith.constant 0 : i32
      %dma_start3A_62 = arith.constant 0 : i32
      %dma_start3A_63 = tpu.memref_slice %arg8[%dma_start3A_61, %dma_start3A_62] : memref<224x128xf32, #tpu.memory_space<vmem>> -> memref<50x128xf32, #tpu.memory_space<vmem>>
      %dma_start3A_64 = tpu.memref_slice %arg6[%mul3A_60] : memref<8192xi32, #tpu.memory_space<vmem>> -> memref<50xi32, #tpu.memory_space<vmem>>
      %dma_start3A_65 = arith.constant 0 : i32
      %dma_start3A_66 = arith.constant 0 : i32
      %dma_start3A_67 = tpu.memref_slice %arg3[%dma_start3A_65, %dma_start3A_66] : memref<1000000x128xf32, #tpu.memory_space<hbm>> -> memref<1000000x128xf32, #tpu.memory_space<hbm>>
      tpu.enqueue_indirect_dma source(%dma_start3A_67 : memref<1000000x128xf32, #tpu.memory_space<hbm>>) target(%dma_start3A_63 : memref<50x128xf32, #tpu.memory_space<vmem>>) offsets(%dma_start3A_64 : memref<50xi32, #tpu.memory_space<vmem>>) semaphore(%arg11 : memref<!tpu.dma_semaphore, #tpu.memory_space<semaphore_mem>>)
      %mul3A_68 = arith.constant 4 : i32
      %mul3A_69 = arith.muli %add3A_54, %mul3A_68 : i32
      %add3A_70 = arith.constant 1 : i32
      %add3A_71 = arith.addi %mul3A_69, %add3A_70 : i32
      %mul3A_72 = arith.constant 64 : i32
      %mul3A_73 = arith.muli %add3A_71, %mul3A_72 : i32
      %dma_start3A_74 = arith.constant 56 : i32
      %dma_start3A_75 = arith.constant 0 : i32
      %dma_start3A_76 = tpu.memref_slice %arg8[%dma_start3A_74, %dma_start3A_75] : memref<224x128xf32, #tpu.memory_space<vmem>> -> memref<50x128xf32, #tpu.memory_space<vmem>>
      %dma_start3A_77 = tpu.memref_slice %arg6[%mul3A_73] : memref<8192xi32, #tpu.memory_space<vmem>> -> memref<50xi32, #tpu.memory_space<vmem>>
      %dma_start3A_78 = arith.constant 0 : i32
      %dma_start3A_79 = arith.constant 0 : i32
      %dma_start3A_80 = tpu.memref_slice %arg3[%dma_start3A_78, %dma_start3A_79] : memref<1000000x128xf32, #tpu.memory_space<hbm>> -> memref<1000000x128xf32, #tpu.memory_space<hbm>>
      tpu.enqueue_indirect_dma source(%dma_start3A_80 : memref<1000000x128xf32, #tpu.memory_space<hbm>>) target(%dma_start3A_76 : memref<50x128xf32, #tpu.memory_space<vmem>>) offsets(%dma_start3A_77 : memref<50xi32, #tpu.memory_space<vmem>>) semaphore(%arg11 : memref<!tpu.dma_semaphore, #tpu.memory_space<semaphore_mem>>)
      %mul3A_81 = arith.constant 4 : i32
      %mul3A_82 = arith.muli %add3A_54, %mul3A_81 : i32
      %add3A_83 = arith.constant 2 : i32
      %add3A_84 = arith.addi %mul3A_82, %add3A_83 : i32
      %mul3A_85 = arith.constant 64 : i32
      %mul3A_86 = arith.muli %add3A_84, %mul3A_85 : i32
      %dma_start3A_87 = arith.constant 112 : i32
      %dma_start3A_88 = arith.constant 0 : i32
      %dma_start3A_89 = tpu.memref_slice %arg8[%dma_start3A_87, %dma_start3A_88] : memref<224x128xf32, #tpu.memory_space<vmem>> -> memref<50x128xf32, #tpu.memory_space<vmem>>
      %dma_start3A_90 = tpu.memref_slice %arg6[%mul3A_86] : memref<8192xi32, #tpu.memory_space<vmem>> -> memref<50xi32, #tpu.memory_space<vmem>>
      %dma_start3A_91 = arith.constant 0 : i32
      %dma_start3A_92 = arith.constant 0 : i32
      %dma_start3A_93 = tpu.memref_slice %arg3[%dma_start3A_91, %dma_start3A_92] : memref<1000000x128xf32, #tpu.memory_space<hbm>> -> memref<1000000x128xf32, #tpu.memory_space<hbm>>
      tpu.enqueue_indirect_dma source(%dma_start3A_93 : memref<1000000x128xf32, #tpu.memory_space<hbm>>) target(%dma_start3A_89 : memref<50x128xf32, #tpu.memory_space<vmem>>) offsets(%dma_start3A_90 : memref<50xi32, #tpu.memory_space<vmem>>) semaphore(%arg11 : memref<!tpu.dma_semaphore, #tpu.memory_space<semaphore_mem>>)
      %mul3A_94 = arith.constant 4 : i32
      %mul3A_95 = arith.muli %add3A_54, %mul3A_94 : i32
      %add3A_96 = arith.constant 3 : i32
      %add3A_97 = arith.addi %mul3A_95, %add3A_96 : i32
      %mul3A_98 = arith.constant 64 : i32
      %mul3A_99 = arith.muli %add3A_97, %mul3A_98 : i32
      %dma_start3A_100 = arith.constant 168 : i32
      %dma_start3A_101 = arith.constant 0 : i32
      %dma_start3A_102 = tpu.memref_slice %arg8[%dma_start3A_100, %dma_start3A_101] : memref<224x128xf32, #tpu.memory_space<vmem>> -> memref<50x128xf32, #tpu.memory_space<vmem>>
      %dma_start3A_103 = tpu.memref_slice %arg6[%mul3A_99] : memref<8192xi32, #tpu.memory_space<vmem>> -> memref<50xi32, #tpu.memory_space<vmem>>
      %dma_start3A_104 = arith.constant 0 : i32
      %dma_start3A_105 = arith.constant 0 : i32
      %dma_start3A_106 = tpu.memref_slice %arg3[%dma_start3A_104, %dma_start3A_105] : memref<1000000x128xf32, #tpu.memory_space<hbm>> -> memref<1000000x128xf32, #tpu.memory_space<hbm>>
      tpu.enqueue_indirect_dma source(%dma_start3A_106 : memref<1000000x128xf32, #tpu.memory_space<hbm>>) target(%dma_start3A_102 : memref<50x128xf32, #tpu.memory_space<vmem>>) offsets(%dma_start3A_103 : memref<50xi32, #tpu.memory_space<vmem>>) semaphore(%arg11 : memref<!tpu.dma_semaphore, #tpu.memory_space<semaphore_mem>>)
      %dma_wait3A = arith.constant 0 : i32
      %dma_wait3A_107 = arith.constant 0 : i32
      %dma_wait3A_108 = tpu.memref_slice %arg7[%dma_wait3A, %dma_wait3A_107] : memref<224x128xf32, #tpu.memory_space<vmem>> -> memref<200x128xf32, #tpu.memory_space<vmem>>
      %dma_wait3A_109 = arith.constant 0 : i32
      %dma_wait3A_110 = arith.constant 0 : i32
      %dma_wait3A_111 = tpu.memref_slice %arg3[%dma_wait3A_109, %dma_wait3A_110] : memref<1000000x128xf32, #tpu.memory_space<hbm>> -> memref<200x128xf32, #tpu.memory_space<hbm>>
      %dma_wait3A_112 = arith.constant 0 : i32
      %dma_wait3A_113 = arith.constant 0 : i32
      %dma_wait3A_114 = tpu.memref_slice %arg7[%dma_wait3A_112, %dma_wait3A_113] : memref<224x128xf32, #tpu.memory_space<vmem>> -> memref<200x128xf32, #tpu.memory_space<vmem>>
      %dma_wait3A_115 = arith.constant 0 : i32
      %dma_wait3A_116 = arith.constant 0 : i32
      %dma_wait3A_117 = tpu.memref_slice %arg3[%dma_wait3A_115, %dma_wait3A_116] : memref<1000000x128xf32, #tpu.memory_space<hbm>> -> memref<200x128xf32, #tpu.memory_space<hbm>>
      tpu.wait_dma2 semaphore(%arg10 : memref<!tpu.dma_semaphore, #tpu.memory_space<semaphore_mem>>) src(%dma_wait3A_117 : memref<200x128xf32, #tpu.memory_space<hbm>>) dst(%dma_wait3A_114 : memref<200x128xf32, #tpu.memory_space<vmem>>)
      %broadcast_in_dim3A = arith.constant 0.000000e+00 : f32
      %broadcast_in_dim3A_118 = vector.broadcast %broadcast_in_dim3A : f32 to vector<16xf32>
      %scan3A_119 = arith.constant 0 : i32
      %scan3A_120 = arith.constant 25 : i32
      %scan3A_121 = arith.addi %scan3A_119, %scan3A_120 : i32
      %scan3A_122 = arith.constant 1 : i32
      %scan3A_123:4 = scf.for %scan3A_435 = %scan3A_119 to %scan3A_121 step %scan3A_122 iter_args(%scan3A_436 = %broadcast_in_dim3A_118, %scan3A_437 = %broadcast_in_dim3A_118, %scan3A_438 = %broadcast_in_dim3A_118, %scan3A_439 = %broadcast_in_dim3A_118) -> (vector<16xf32>, vector<16xf32>, vector<16xf32>, vector<16xf32>)  : i32 {
        %mul3A_440 = arith.constant 2 : i32
        %mul3A_441 = arith.muli %scan3A_435, %mul3A_440 : i32
        %add3A_442 = arith.constant 0 : i32
        %add3A_443 = arith.addi %add3A_442, %mul3A_441 : i32
        %get3A = arith.index_cast %add3A_443 : i32 to index
        %get3A_444 = arith.constant 0 : index
        %get3A_445 = tpu.vector_load %arg7[%get3A, %get3A_444] {strides = array<i32>} : memref<224x128xf32, #tpu.memory_space<vmem>>, vector<1x16xf32>,
        %get3A_446 = vector.shape_cast %get3A_445 : vector<1x16xf32> to vector<16xf32>
        %add3A_447 = arith.addf %scan3A_436, %get3A_446 : vector<16xf32>
        %get3A_448 = arith.index_cast %add3A_443 : i32 to index
        %get3A_449 = arith.constant 16 : index
        %get3A_450 = tpu.vector_load %arg7[%get3A_448, %get3A_449] {strides = array<i32>} : memref<224x128xf32, #tpu.memory_space<vmem>>, vector<1x16xf32>,
        %get3A_451 = vector.shape_cast %get3A_450 : vector<1x16xf32> to vector<16xf32>
        %add3A_452 = arith.addf %scan3A_437, %get3A_451 : vector<16xf32>
        %get3A_453 = arith.index_cast %add3A_443 : i32 to index
        %get3A_454 = arith.constant 32 : index
        %get3A_455 = tpu.vector_load %arg7[%get3A_453, %get3A_454] {strides = array<i32>} : memref<224x128xf32, #tpu.memory_space<vmem>>, vector<1x16xf32>,
        %get3A_456 = vector.shape_cast %get3A_455 : vector<1x16xf32> to vector<16xf32>
        %add3A_457 = arith.addf %scan3A_438, %get3A_456 : vector<16xf32>
        %get3A_458 = arith.index_cast %add3A_443 : i32 to index
        %get3A_459 = arith.constant 48 : index
        %get3A_460 = tpu.vector_load %arg7[%get3A_458, %get3A_459] {strides = array<i32>} : memref<224x128xf32, #tpu.memory_space<vmem>>, vector<1x16xf32>,
        %get3A_461 = vector.shape_cast %get3A_460 : vector<1x16xf32> to vector<16xf32>
        %add3A_462 = arith.addf %scan3A_439, %get3A_461 : vector<16xf32>
        %add3A_463 = arith.constant 1 : i32
        %add3A_464 = arith.addi %add3A_443, %add3A_463 : i32
        %get3A_465 = arith.index_cast %add3A_464 : i32 to index
        %get3A_466 = arith.constant 0 : index
        %get3A_467 = tpu.vector_load %arg7[%get3A_465, %get3A_466] {strides = array<i32>} : memref<224x128xf32, #tpu.memory_space<vmem>>, vector<1x16xf32>,
        %get3A_468 = vector.shape_cast %get3A_467 : vector<1x16xf32> to vector<16xf32>
        %add3A_469 = arith.addf %add3A_447, %get3A_468 : vector<16xf32>
        %add3A_470 = arith.constant 1 : i32
        %add3A_471 = arith.addi %add3A_443, %add3A_470 : i32
        %get3A_472 = arith.index_cast %add3A_471 : i32 to index
        %get3A_473 = arith.constant 16 : index
        %get3A_474 = tpu.vector_load %arg7[%get3A_472, %get3A_473] {strides = array<i32>} : memref<224x128xf32, #tpu.memory_space<vmem>>, vector<1x16xf32>,
        %get3A_475 = vector.shape_cast %get3A_474 : vector<1x16xf32> to vector<16xf32>
        %add3A_476 = arith.addf %add3A_452, %get3A_475 : vector<16xf32>
        %add3A_477 = arith.constant 1 : i32
        %add3A_478 = arith.addi %add3A_443, %add3A_477 : i32
        %get3A_479 = arith.index_cast %add3A_478 : i32 to index
        %get3A_480 = arith.constant 32 : index
        %get3A_481 = tpu.vector_load %arg7[%get3A_479, %get3A_480] {strides = array<i32>} : memref<224x128xf32, #tpu.memory_space<vmem>>, vector<1x16xf32>,
        %get3A_482 = vector.shape_cast %get3A_481 : vector<1x16xf32> to vector<16xf32>
        %add3A_483 = arith.addf %add3A_457, %get3A_482 : vector<16xf32>
        %add3A_484 = arith.constant 1 : i32
        %add3A_485 = arith.addi %add3A_443, %add3A_484 : i32
        %get3A_486 = arith.index_cast %add3A_485 : i32 to index
        %get3A_487 = arith.constant 48 : index
        %get3A_488 = tpu.vector_load %arg7[%get3A_486, %get3A_487] {strides = array<i32>} : memref<224x128xf32, #tpu.memory_space<vmem>>, vector<1x16xf32>,
        %get3A_489 = vector.shape_cast %get3A_488 : vector<1x16xf32> to vector<16xf32>
        %add3A_490 = arith.addf %add3A_462, %get3A_489 : vector<16xf32>
        scf.yield %add3A_469, %add3A_476, %add3A_483, %add3A_490 : vector<16xf32>, vector<16xf32>, vector<16xf32>, vector<16xf32>
      }
      %scan3A_124 = arith.constant 25 : i32
      %mul3A_125 = arith.constant 4 : i32
      %mul3A_126 = arith.muli %mul3A_49, %mul3A_125 : i32
      %add3A_127 = arith.constant 0 : i32
      %add3A_128 = arith.addi %mul3A_126, %add3A_127 : i32
      %mul3A_129 = arith.constant 64 : i32
      %mul3A_130 = arith.muli %add3A_128, %mul3A_129 : i32
      %add3A_131 = arith.constant 0 : i32
      %add3A_132 = arith.addi %mul3A_130, %add3A_131 : i32
      %swap3A = arith.index_cast %add3A_132 : i32 to index
      %swap3A_133 = tpu.vector_load %arg9[%swap3A] {strides = array<i32>} : memref<8192xf32, #tpu.memory_space<vmem>>, vector<16xf32>,
      %swap3A_134 = vector.shape_cast %swap3A_133 : vector<16xf32> to vector<16xf32>
      %swap3A_135 = vector.shape_cast %scan3A_123#0 : vector<16xf32> to vector<16xf32>
      tpu.vector_store %arg9[%swap3A], %swap3A_135 {strides = array<i32>} : memref<8192xf32, #tpu.memory_space<vmem>>, vector<16xf32>,
      %add3A_136 = arith.constant 16 : i32
      %add3A_137 = arith.addi %mul3A_130, %add3A_136 : i32
      %swap3A_138 = arith.index_cast %add3A_137 : i32 to index
      %swap3A_139 = tpu.vector_load %arg9[%swap3A_138] {strides = array<i32>} : memref<8192xf32, #tpu.memory_space<vmem>>, vector<16xf32>,
      %swap3A_140 = vector.shape_cast %swap3A_139 : vector<16xf32> to vector<16xf32>
      %swap3A_141 = vector.shape_cast %scan3A_123#1 : vector<16xf32> to vector<16xf32>
      tpu.vector_store %arg9[%swap3A_138], %swap3A_141 {strides = array<i32>} : memref<8192xf32, #tpu.memory_space<vmem>>, vector<16xf32>,
      %add3A_142 = arith.constant 32 : i32
      %add3A_143 = arith.addi %mul3A_130, %add3A_142 : i32
      %swap3A_144 = arith.index_cast %add3A_143 : i32 to index
      %swap3A_145 = tpu.vector_load %arg9[%swap3A_144] {strides = array<i32>} : memref<8192xf32, #tpu.memory_space<vmem>>, vector<16xf32>,
      %swap3A_146 = vector.shape_cast %swap3A_145 : vector<16xf32> to vector<16xf32>
      %swap3A_147 = vector.shape_cast %scan3A_123#2 : vector<16xf32> to vector<16xf32>
      tpu.vector_store %arg9[%swap3A_144], %swap3A_147 {strides = array<i32>} : memref<8192xf32, #tpu.memory_space<vmem>>, vector<16xf32>,
      %add3A_148 = arith.constant 48 : i32
      %add3A_149 = arith.addi %mul3A_130, %add3A_148 : i32
      %swap3A_150 = arith.index_cast %add3A_149 : i32 to index
      %swap3A_151 = tpu.vector_load %arg9[%swap3A_150] {strides = array<i32>} : memref<8192xf32, #tpu.memory_space<vmem>>, vector<16xf32>,
      %swap3A_152 = vector.shape_cast %swap3A_151 : vector<16xf32> to vector<16xf32>
      %swap3A_153 = vector.shape_cast %scan3A_123#3 : vector<16xf32> to vector<16xf32>
      tpu.vector_store %arg9[%swap3A_150], %swap3A_153 {strides = array<i32>} : memref<8192xf32, #tpu.memory_space<vmem>>, vector<16xf32>,
      %broadcast_in_dim3A_154 = arith.constant 0.000000e+00 : f32
      %broadcast_in_dim3A_155 = vector.broadcast %broadcast_in_dim3A_154 : f32 to vector<16xf32>
      %scan3A_156 = arith.constant 0 : i32
      %scan3A_157 = arith.constant 25 : i32
      %scan3A_158 = arith.addi %scan3A_156, %scan3A_157 : i32
      %scan3A_159 = arith.constant 1 : i32
      %scan3A_160:4 = scf.for %scan3A_435 = %scan3A_156 to %scan3A_158 step %scan3A_159 iter_args(%scan3A_436 = %broadcast_in_dim3A_155, %scan3A_437 = %broadcast_in_dim3A_155, %scan3A_438 = %broadcast_in_dim3A_155, %scan3A_439 = %broadcast_in_dim3A_155) -> (vector<16xf32>, vector<16xf32>, vector<16xf32>, vector<16xf32>)  : i32 {
        %mul3A_440 = arith.constant 2 : i32
        %mul3A_441 = arith.muli %scan3A_435, %mul3A_440 : i32
        %add3A_442 = arith.constant 56 : i32
        %add3A_443 = arith.addi %add3A_442, %mul3A_441 : i32
        %get3A = arith.index_cast %add3A_443 : i32 to index
        %get3A_444 = arith.constant 0 : index
        %get3A_445 = tpu.vector_load %arg7[%get3A, %get3A_444] {strides = array<i32>} : memref<224x128xf32, #tpu.memory_space<vmem>>, vector<1x16xf32>,
        %get3A_446 = vector.shape_cast %get3A_445 : vector<1x16xf32> to vector<16xf32>
        %add3A_447 = arith.addf %scan3A_436, %get3A_446 : vector<16xf32>
        %get3A_448 = arith.index_cast %add3A_443 : i32 to index
        %get3A_449 = arith.constant 16 : index
        %get3A_450 = tpu.vector_load %arg7[%get3A_448, %get3A_449] {strides = array<i32>} : memref<224x128xf32, #tpu.memory_space<vmem>>, vector<1x16xf32>,
        %get3A_451 = vector.shape_cast %get3A_450 : vector<1x16xf32> to vector<16xf32>
        %add3A_452 = arith.addf %scan3A_437, %get3A_451 : vector<16xf32>
        %get3A_453 = arith.index_cast %add3A_443 : i32 to index
        %get3A_454 = arith.constant 32 : index
        %get3A_455 = tpu.vector_load %arg7[%get3A_453, %get3A_454] {strides = array<i32>} : memref<224x128xf32, #tpu.memory_space<vmem>>, vector<1x16xf32>,
        %get3A_456 = vector.shape_cast %get3A_455 : vector<1x16xf32> to vector<16xf32>
        %add3A_457 = arith.addf %scan3A_438, %get3A_456 : vector<16xf32>
        %get3A_458 = arith.index_cast %add3A_443 : i32 to index
        %get3A_459 = arith.constant 48 : index
        %get3A_460 = tpu.vector_load %arg7[%get3A_458, %get3A_459] {strides = array<i32>} : memref<224x128xf32, #tpu.memory_space<vmem>>, vector<1x16xf32>,
        %get3A_461 = vector.shape_cast %get3A_460 : vector<1x16xf32> to vector<16xf32>
        %add3A_462 = arith.addf %scan3A_439, %get3A_461 : vector<16xf32>
        %add3A_463 = arith.constant 1 : i32
        %add3A_464 = arith.addi %add3A_443, %add3A_463 : i32
        %get3A_465 = arith.index_cast %add3A_464 : i32 to index
        %get3A_466 = arith.constant 0 : index
        %get3A_467 = tpu.vector_load %arg7[%get3A_465, %get3A_466] {strides = array<i32>} : memref<224x128xf32, #tpu.memory_space<vmem>>, vector<1x16xf32>,
        %get3A_468 = vector.shape_cast %get3A_467 : vector<1x16xf32> to vector<16xf32>
        %add3A_469 = arith.addf %add3A_447, %get3A_468 : vector<16xf32>
        %add3A_470 = arith.constant 1 : i32
        %add3A_471 = arith.addi %add3A_443, %add3A_470 : i32
        %get3A_472 = arith.index_cast %add3A_471 : i32 to index
        %get3A_473 = arith.constant 16 : index
        %get3A_474 = tpu.vector_load %arg7[%get3A_472, %get3A_473] {strides = array<i32>} : memref<224x128xf32, #tpu.memory_space<vmem>>, vector<1x16xf32>,
        %get3A_475 = vector.shape_cast %get3A_474 : vector<1x16xf32> to vector<16xf32>
        %add3A_476 = arith.addf %add3A_452, %get3A_475 : vector<16xf32>
        %add3A_477 = arith.constant 1 : i32
        %add3A_478 = arith.addi %add3A_443, %add3A_477 : i32
        %get3A_479 = arith.index_cast %add3A_478 : i32 to index
        %get3A_480 = arith.constant 32 : index
        %get3A_481 = tpu.vector_load %arg7[%get3A_479, %get3A_480] {strides = array<i32>} : memref<224x128xf32, #tpu.memory_space<vmem>>, vector<1x16xf32>,
        %get3A_482 = vector.shape_cast %get3A_481 : vector<1x16xf32> to vector<16xf32>
        %add3A_483 = arith.addf %add3A_457, %get3A_482 : vector<16xf32>
        %add3A_484 = arith.constant 1 : i32
        %add3A_485 = arith.addi %add3A_443, %add3A_484 : i32
        %get3A_486 = arith.index_cast %add3A_485 : i32 to index
        %get3A_487 = arith.constant 48 : index
        %get3A_488 = tpu.vector_load %arg7[%get3A_486, %get3A_487] {strides = array<i32>} : memref<224x128xf32, #tpu.memory_space<vmem>>, vector<1x16xf32>,
        %get3A_489 = vector.shape_cast %get3A_488 : vector<1x16xf32> to vector<16xf32>
        %add3A_490 = arith.addf %add3A_462, %get3A_489 : vector<16xf32>
        scf.yield %add3A_469, %add3A_476, %add3A_483, %add3A_490 : vector<16xf32>, vector<16xf32>, vector<16xf32>, vector<16xf32>
      }
      %scan3A_161 = arith.constant 25 : i32
      %mul3A_162 = arith.constant 4 : i32
      %mul3A_163 = arith.muli %mul3A_49, %mul3A_162 : i32
      %add3A_164 = arith.constant 1 : i32
      %add3A_165 = arith.addi %mul3A_163, %add3A_164 : i32
      %mul3A_166 = arith.constant 64 : i32
      %mul3A_167 = arith.muli %add3A_165, %mul3A_166 : i32
      %add3A_168 = arith.constant 0 : i32
      %add3A_169 = arith.addi %mul3A_167, %add3A_168 : i32
      %swap3A_170 = arith.index_cast %add3A_169 : i32 to index
      %swap3A_171 = tpu.vector_load %arg9[%swap3A_170] {strides = array<i32>} : memref<8192xf32, #tpu.memory_space<vmem>>, vector<16xf32>,
      %swap3A_172 = vector.shape_cast %swap3A_171 : vector<16xf32> to vector<16xf32>
      %swap3A_173 = vector.shape_cast %scan3A_160#0 : vector<16xf32> to vector<16xf32>
      tpu.vector_store %arg9[%swap3A_170], %swap3A_173 {strides = array<i32>} : memref<8192xf32, #tpu.memory_space<vmem>>, vector<16xf32>,
      %add3A_174 = arith.constant 16 : i32
      %add3A_175 = arith.addi %mul3A_167, %add3A_174 : i32
      %swap3A_176 = arith.index_cast %add3A_175 : i32 to index
      %swap3A_177 = tpu.vector_load %arg9[%swap3A_176] {strides = array<i32>} : memref<8192xf32, #tpu.memory_space<vmem>>, vector<16xf32>,
      %swap3A_178 = vector.shape_cast %swap3A_177 : vector<16xf32> to vector<16xf32>
      %swap3A_179 = vector.shape_cast %scan3A_160#1 : vector<16xf32> to vector<16xf32>
      tpu.vector_store %arg9[%swap3A_176], %swap3A_179 {strides = array<i32>} : memref<8192xf32, #tpu.memory_space<vmem>>, vector<16xf32>,
      %add3A_180 = arith.constant 32 : i32
      %add3A_181 = arith.addi %mul3A_167, %add3A_180 : i32
      %swap3A_182 = arith.index_cast %add3A_181 : i32 to index
      %swap3A_183 = tpu.vector_load %arg9[%swap3A_182] {strides = array<i32>} : memref<8192xf32, #tpu.memory_space<vmem>>, vector<16xf32>,
      %swap3A_184 = vector.shape_cast %swap3A_183 : vector<16xf32> to vector<16xf32>
      %swap3A_185 = vector.shape_cast %scan3A_160#2 : vector<16xf32> to vector<16xf32>
      tpu.vector_store %arg9[%swap3A_182], %swap3A_185 {strides = array<i32>} : memref<8192xf32, #tpu.memory_space<vmem>>, vector<16xf32>,
      %add3A_186 = arith.constant 48 : i32
      %add3A_187 = arith.addi %mul3A_167, %add3A_186 : i32
      %swap3A_188 = arith.index_cast %add3A_187 : i32 to index
      %swap3A_189 = tpu.vector_load %arg9[%swap3A_188] {strides = array<i32>} : memref<8192xf32, #tpu.memory_space<vmem>>, vector<16xf32>,
      %swap3A_190 = vector.shape_cast %swap3A_189 : vector<16xf32> to vector<16xf32>
      %swap3A_191 = vector.shape_cast %scan3A_160#3 : vector<16xf32> to vector<16xf32>
      tpu.vector_store %arg9[%swap3A_188], %swap3A_191 {strides = array<i32>} : memref<8192xf32, #tpu.memory_space<vmem>>, vector<16xf32>,
      %broadcast_in_dim3A_192 = arith.constant 0.000000e+00 : f32
      %broadcast_in_dim3A_193 = vector.broadcast %broadcast_in_dim3A_192 : f32 to vector<16xf32>
      %scan3A_194 = arith.constant 0 : i32
      %scan3A_195 = arith.constant 25 : i32
      %scan3A_196 = arith.addi %scan3A_194, %scan3A_195 : i32
      %scan3A_197 = arith.constant 1 : i32
      %scan3A_198:4 = scf.for %scan3A_435 = %scan3A_194 to %scan3A_196 step %scan3A_197 iter_args(%scan3A_436 = %broadcast_in_dim3A_193, %scan3A_437 = %broadcast_in_dim3A_193, %scan3A_438 = %broadcast_in_dim3A_193, %scan3A_439 = %broadcast_in_dim3A_193) -> (vector<16xf32>, vector<16xf32>, vector<16xf32>, vector<16xf32>)  : i32 {
        %mul3A_440 = arith.constant 2 : i32
        %mul3A_441 = arith.muli %scan3A_435, %mul3A_440 : i32
        %add3A_442 = arith.constant 112 : i32
        %add3A_443 = arith.addi %add3A_442, %mul3A_441 : i32
        %get3A = arith.index_cast %add3A_443 : i32 to index
        %get3A_444 = arith.constant 0 : index
        %get3A_445 = tpu.vector_load %arg7[%get3A, %get3A_444] {strides = array<i32>} : memref<224x128xf32, #tpu.memory_space<vmem>>, vector<1x16xf32>,
        %get3A_446 = vector.shape_cast %get3A_445 : vector<1x16xf32> to vector<16xf32>
        %add3A_447 = arith.addf %scan3A_436, %get3A_446 : vector<16xf32>
        %get3A_448 = arith.index_cast %add3A_443 : i32 to index
        %get3A_449 = arith.constant 16 : index
        %get3A_450 = tpu.vector_load %arg7[%get3A_448, %get3A_449] {strides = array<i32>} : memref<224x128xf32, #tpu.memory_space<vmem>>, vector<1x16xf32>,
        %get3A_451 = vector.shape_cast %get3A_450 : vector<1x16xf32> to vector<16xf32>
        %add3A_452 = arith.addf %scan3A_437, %get3A_451 : vector<16xf32>
        %get3A_453 = arith.index_cast %add3A_443 : i32 to index
        %get3A_454 = arith.constant 32 : index
        %get3A_455 = tpu.vector_load %arg7[%get3A_453, %get3A_454] {strides = array<i32>} : memref<224x128xf32, #tpu.memory_space<vmem>>, vector<1x16xf32>,
        %get3A_456 = vector.shape_cast %get3A_455 : vector<1x16xf32> to vector<16xf32>
        %add3A_457 = arith.addf %scan3A_438, %get3A_456 : vector<16xf32>
        %get3A_458 = arith.index_cast %add3A_443 : i32 to index
        %get3A_459 = arith.constant 48 : index
        %get3A_460 = tpu.vector_load %arg7[%get3A_458, %get3A_459] {strides = array<i32>} : memref<224x128xf32, #tpu.memory_space<vmem>>, vector<1x16xf32>,
        %get3A_461 = vector.shape_cast %get3A_460 : vector<1x16xf32> to vector<16xf32>
        %add3A_462 = arith.addf %scan3A_439, %get3A_461 : vector<16xf32>
        %add3A_463 = arith.constant 1 : i32
        %add3A_464 = arith.addi %add3A_443, %add3A_463 : i32
        %get3A_465 = arith.index_cast %add3A_464 : i32 to index
        %get3A_466 = arith.constant 0 : index
        %get3A_467 = tpu.vector_load %arg7[%get3A_465, %get3A_466] {strides = array<i32>} : memref<224x128xf32, #tpu.memory_space<vmem>>, vector<1x16xf32>,
        %get3A_468 = vector.shape_cast %get3A_467 : vector<1x16xf32> to vector<16xf32>
        %add3A_469 = arith.addf %add3A_447, %get3A_468 : vector<16xf32>
        %add3A_470 = arith.constant 1 : i32
        %add3A_471 = arith.addi %add3A_443, %add3A_470 : i32
        %get3A_472 = arith.index_cast %add3A_471 : i32 to index
        %get3A_473 = arith.constant 16 : index
        %get3A_474 = tpu.vector_load %arg7[%get3A_472, %get3A_473] {strides = array<i32>} : memref<224x128xf32, #tpu.memory_space<vmem>>, vector<1x16xf32>,
        %get3A_475 = vector.shape_cast %get3A_474 : vector<1x16xf32> to vector<16xf32>
        %add3A_476 = arith.addf %add3A_452, %get3A_475 : vector<16xf32>
        %add3A_477 = arith.constant 1 : i32
        %add3A_478 = arith.addi %add3A_443, %add3A_477 : i32
        %get3A_479 = arith.index_cast %add3A_478 : i32 to index
        %get3A_480 = arith.constant 32 : index
        %get3A_481 = tpu.vector_load %arg7[%get3A_479, %get3A_480] {strides = array<i32>} : memref<224x128xf32, #tpu.memory_space<vmem>>, vector<1x16xf32>,
        %get3A_482 = vector.shape_cast %get3A_481 : vector<1x16xf32> to vector<16xf32>
        %add3A_483 = arith.addf %add3A_457, %get3A_482 : vector<16xf32>
        %add3A_484 = arith.constant 1 : i32
        %add3A_485 = arith.addi %add3A_443, %add3A_484 : i32
        %get3A_486 = arith.index_cast %add3A_485 : i32 to index
        %get3A_487 = arith.constant 48 : index
        %get3A_488 = tpu.vector_load %arg7[%get3A_486, %get3A_487] {strides = array<i32>} : memref<224x128xf32, #tpu.memory_space<vmem>>, vector<1x16xf32>,
        %get3A_489 = vector.shape_cast %get3A_488 : vector<1x16xf32> to vector<16xf32>
        %add3A_490 = arith.addf %add3A_462, %get3A_489 : vector<16xf32>
        scf.yield %add3A_469, %add3A_476, %add3A_483, %add3A_490 : vector<16xf32>, vector<16xf32>, vector<16xf32>, vector<16xf32>
      }
      %scan3A_199 = arith.constant 25 : i32
      %mul3A_200 = arith.constant 4 : i32
      %mul3A_201 = arith.muli %mul3A_49, %mul3A_200 : i32
      %add3A_202 = arith.constant 2 : i32
      %add3A_203 = arith.addi %mul3A_201, %add3A_202 : i32
      %mul3A_204 = arith.constant 64 : i32
      %mul3A_205 = arith.muli %add3A_203, %mul3A_204 : i32
      %add3A_206 = arith.constant 0 : i32
      %add3A_207 = arith.addi %mul3A_205, %add3A_206 : i32
      %swap3A_208 = arith.index_cast %add3A_207 : i32 to index
      %swap3A_209 = tpu.vector_load %arg9[%swap3A_208] {strides = array<i32>} : memref<8192xf32, #tpu.memory_space<vmem>>, vector<16xf32>,
      %swap3A_210 = vector.shape_cast %swap3A_209 : vector<16xf32> to vector<16xf32>
      %swap3A_211 = vector.shape_cast %scan3A_198#0 : vector<16xf32> to vector<16xf32>
      tpu.vector_store %arg9[%swap3A_208], %swap3A_211 {strides = array<i32>} : memref<8192xf32, #tpu.memory_space<vmem>>, vector<16xf32>,
      %add3A_212 = arith.constant 16 : i32
      %add3A_213 = arith.addi %mul3A_205, %add3A_212 : i32
      %swap3A_214 = arith.index_cast %add3A_213 : i32 to index
      %swap3A_215 = tpu.vector_load %arg9[%swap3A_214] {strides = array<i32>} : memref<8192xf32, #tpu.memory_space<vmem>>, vector<16xf32>,
      %swap3A_216 = vector.shape_cast %swap3A_215 : vector<16xf32> to vector<16xf32>
      %swap3A_217 = vector.shape_cast %scan3A_198#1 : vector<16xf32> to vector<16xf32>
      tpu.vector_store %arg9[%swap3A_214], %swap3A_217 {strides = array<i32>} : memref<8192xf32, #tpu.memory_space<vmem>>, vector<16xf32>,
      %add3A_218 = arith.constant 32 : i32
      %add3A_219 = arith.addi %mul3A_205, %add3A_218 : i32
      %swap3A_220 = arith.index_cast %add3A_219 : i32 to index
      %swap3A_221 = tpu.vector_load %arg9[%swap3A_220] {strides = array<i32>} : memref<8192xf32, #tpu.memory_space<vmem>>, vector<16xf32>,
      %swap3A_222 = vector.shape_cast %swap3A_221 : vector<16xf32> to vector<16xf32>
      %swap3A_223 = vector.shape_cast %scan3A_198#2 : vector<16xf32> to vector<16xf32>
      tpu.vector_store %arg9[%swap3A_220], %swap3A_223 {strides = array<i32>} : memref<8192xf32, #tpu.memory_space<vmem>>, vector<16xf32>,
      %add3A_224 = arith.constant 48 : i32
      %add3A_225 = arith.addi %mul3A_205, %add3A_224 : i32
      %swap3A_226 = arith.index_cast %add3A_225 : i32 to index
      %swap3A_227 = tpu.vector_load %arg9[%swap3A_226] {strides = array<i32>} : memref<8192xf32, #tpu.memory_space<vmem>>, vector<16xf32>,
      %swap3A_228 = vector.shape_cast %swap3A_227 : vector<16xf32> to vector<16xf32>
      %swap3A_229 = vector.shape_cast %scan3A_198#3 : vector<16xf32> to vector<16xf32>
      tpu.vector_store %arg9[%swap3A_226], %swap3A_229 {strides = array<i32>} : memref<8192xf32, #tpu.memory_space<vmem>>, vector<16xf32>,
      %broadcast_in_dim3A_230 = arith.constant 0.000000e+00 : f32
      %broadcast_in_dim3A_231 = vector.broadcast %broadcast_in_dim3A_230 : f32 to vector<16xf32>
      %scan3A_232 = arith.constant 0 : i32
      %scan3A_233 = arith.constant 25 : i32
      %scan3A_234 = arith.addi %scan3A_232, %scan3A_233 : i32
      %scan3A_235 = arith.constant 1 : i32
      %scan3A_236:4 = scf.for %scan3A_435 = %scan3A_232 to %scan3A_234 step %scan3A_235 iter_args(%scan3A_436 = %broadcast_in_dim3A_231, %scan3A_437 = %broadcast_in_dim3A_231, %scan3A_438 = %broadcast_in_dim3A_231, %scan3A_439 = %broadcast_in_dim3A_231) -> (vector<16xf32>, vector<16xf32>, vector<16xf32>, vector<16xf32>)  : i32 {
        %mul3A_440 = arith.constant 2 : i32
        %mul3A_441 = arith.muli %scan3A_435, %mul3A_440 : i32
        %add3A_442 = arith.constant 168 : i32
        %add3A_443 = arith.addi %add3A_442, %mul3A_441 : i32
        %get3A = arith.index_cast %add3A_443 : i32 to index
        %get3A_444 = arith.constant 0 : index
        %get3A_445 = tpu.vector_load %arg7[%get3A, %get3A_444] {strides = array<i32>} : memref<224x128xf32, #tpu.memory_space<vmem>>, vector<1x16xf32>,
        %get3A_446 = vector.shape_cast %get3A_445 : vector<1x16xf32> to vector<16xf32>
        %add3A_447 = arith.addf %scan3A_436, %get3A_446 : vector<16xf32>
        %get3A_448 = arith.index_cast %add3A_443 : i32 to index
        %get3A_449 = arith.constant 16 : index
        %get3A_450 = tpu.vector_load %arg7[%get3A_448, %get3A_449] {strides = array<i32>} : memref<224x128xf32, #tpu.memory_space<vmem>>, vector<1x16xf32>,
        %get3A_451 = vector.shape_cast %get3A_450 : vector<1x16xf32> to vector<16xf32>
        %add3A_452 = arith.addf %scan3A_437, %get3A_451 : vector<16xf32>
        %get3A_453 = arith.index_cast %add3A_443 : i32 to index
        %get3A_454 = arith.constant 32 : index
        %get3A_455 = tpu.vector_load %arg7[%get3A_453, %get3A_454] {strides = array<i32>} : memref<224x128xf32, #tpu.memory_space<vmem>>, vector<1x16xf32>,
        %get3A_456 = vector.shape_cast %get3A_455 : vector<1x16xf32> to vector<16xf32>
        %add3A_457 = arith.addf %scan3A_438, %get3A_456 : vector<16xf32>
        %get3A_458 = arith.index_cast %add3A_443 : i32 to index
        %get3A_459 = arith.constant 48 : index
        %get3A_460 = tpu.vector_load %arg7[%get3A_458, %get3A_459] {strides = array<i32>} : memref<224x128xf32, #tpu.memory_space<vmem>>, vector<1x16xf32>,
        %get3A_461 = vector.shape_cast %get3A_460 : vector<1x16xf32> to vector<16xf32>
        %add3A_462 = arith.addf %scan3A_439, %get3A_461 : vector<16xf32>
        %add3A_463 = arith.constant 1 : i32
        %add3A_464 = arith.addi %add3A_443, %add3A_463 : i32
        %get3A_465 = arith.index_cast %add3A_464 : i32 to index
        %get3A_466 = arith.constant 0 : index
        %get3A_467 = tpu.vector_load %arg7[%get3A_465, %get3A_466] {strides = array<i32>} : memref<224x128xf32, #tpu.memory_space<vmem>>, vector<1x16xf32>,
        %get3A_468 = vector.shape_cast %get3A_467 : vector<1x16xf32> to vector<16xf32>
        %add3A_469 = arith.addf %add3A_447, %get3A_468 : vector<16xf32>
        %add3A_470 = arith.constant 1 : i32
        %add3A_471 = arith.addi %add3A_443, %add3A_470 : i32
        %get3A_472 = arith.index_cast %add3A_471 : i32 to index
        %get3A_473 = arith.constant 16 : index
        %get3A_474 = tpu.vector_load %arg7[%get3A_472, %get3A_473] {strides = array<i32>} : memref<224x128xf32, #tpu.memory_space<vmem>>, vector<1x16xf32>,
        %get3A_475 = vector.shape_cast %get3A_474 : vector<1x16xf32> to vector<16xf32>
        %add3A_476 = arith.addf %add3A_452, %get3A_475 : vector<16xf32>
        %add3A_477 = arith.constant 1 : i32
        %add3A_478 = arith.addi %add3A_443, %add3A_477 : i32
        %get3A_479 = arith.index_cast %add3A_478 : i32 to index
        %get3A_480 = arith.constant 32 : index
        %get3A_481 = tpu.vector_load %arg7[%get3A_479, %get3A_480] {strides = array<i32>} : memref<224x128xf32, #tpu.memory_space<vmem>>, vector<1x16xf32>,
        %get3A_482 = vector.shape_cast %get3A_481 : vector<1x16xf32> to vector<16xf32>
        %add3A_483 = arith.addf %add3A_457, %get3A_482 : vector<16xf32>
        %add3A_484 = arith.constant 1 : i32
        %add3A_485 = arith.addi %add3A_443, %add3A_484 : i32
        %get3A_486 = arith.index_cast %add3A_485 : i32 to index
        %get3A_487 = arith.constant 48 : index
        %get3A_488 = tpu.vector_load %arg7[%get3A_486, %get3A_487] {strides = array<i32>} : memref<224x128xf32, #tpu.memory_space<vmem>>, vector<1x16xf32>,
        %get3A_489 = vector.shape_cast %get3A_488 : vector<1x16xf32> to vector<16xf32>
        %add3A_490 = arith.addf %add3A_462, %get3A_489 : vector<16xf32>
        scf.yield %add3A_469, %add3A_476, %add3A_483, %add3A_490 : vector<16xf32>, vector<16xf32>, vector<16xf32>, vector<16xf32>
      }
      %scan3A_237 = arith.constant 25 : i32
      %mul3A_238 = arith.constant 4 : i32
      %mul3A_239 = arith.muli %mul3A_49, %mul3A_238 : i32
      %add3A_240 = arith.constant 3 : i32
      %add3A_241 = arith.addi %mul3A_239, %add3A_240 : i32
      %mul3A_242 = arith.constant 64 : i32
      %mul3A_243 = arith.muli %add3A_241, %mul3A_242 : i32
      %add3A_244 = arith.constant 0 : i32
      %add3A_245 = arith.addi %mul3A_243, %add3A_244 : i32
      %swap3A_246 = arith.index_cast %add3A_245 : i32 to index
      %swap3A_247 = tpu.vector_load %arg9[%swap3A_246] {strides = array<i32>} : memref<8192xf32, #tpu.memory_space<vmem>>, vector<16xf32>,
      %swap3A_248 = vector.shape_cast %swap3A_247 : vector<16xf32> to vector<16xf32>
      %swap3A_249 = vector.shape_cast %scan3A_236#0 : vector<16xf32> to vector<16xf32>
      tpu.vector_store %arg9[%swap3A_246], %swap3A_249 {strides = array<i32>} : memref<8192xf32, #tpu.memory_space<vmem>>, vector<16xf32>,
      %add3A_250 = arith.constant 16 : i32
      %add3A_251 = arith.addi %mul3A_243, %add3A_250 : i32
      %swap3A_252 = arith.index_cast %add3A_251 : i32 to index
      %swap3A_253 = tpu.vector_load %arg9[%swap3A_252] {strides = array<i32>} : memref<8192xf32, #tpu.memory_space<vmem>>, vector<16xf32>,
      %swap3A_254 = vector.shape_cast %swap3A_253 : vector<16xf32> to vector<16xf32>
      %swap3A_255 = vector.shape_cast %scan3A_236#1 : vector<16xf32> to vector<16xf32>
      tpu.vector_store %arg9[%swap3A_252], %swap3A_255 {strides = array<i32>} : memref<8192xf32, #tpu.memory_space<vmem>>, vector<16xf32>,
      %add3A_256 = arith.constant 32 : i32
      %add3A_257 = arith.addi %mul3A_243, %add3A_256 : i32
      %swap3A_258 = arith.index_cast %add3A_257 : i32 to index
      %swap3A_259 = tpu.vector_load %arg9[%swap3A_258] {strides = array<i32>} : memref<8192xf32, #tpu.memory_space<vmem>>, vector<16xf32>,
      %swap3A_260 = vector.shape_cast %swap3A_259 : vector<16xf32> to vector<16xf32>
      %swap3A_261 = vector.shape_cast %scan3A_236#2 : vector<16xf32> to vector<16xf32>
      tpu.vector_store %arg9[%swap3A_258], %swap3A_261 {strides = array<i32>} : memref<8192xf32, #tpu.memory_space<vmem>>, vector<16xf32>,
      %add3A_262 = arith.constant 48 : i32
      %add3A_263 = arith.addi %mul3A_243, %add3A_262 : i32
      %swap3A_264 = arith.index_cast %add3A_263 : i32 to index
      %swap3A_265 = tpu.vector_load %arg9[%swap3A_264] {strides = array<i32>} : memref<8192xf32, #tpu.memory_space<vmem>>, vector<16xf32>,
      %swap3A_266 = vector.shape_cast %swap3A_265 : vector<16xf32> to vector<16xf32>
      %swap3A_267 = vector.shape_cast %scan3A_236#3 : vector<16xf32> to vector<16xf32>
      tpu.vector_store %arg9[%swap3A_264], %swap3A_267 {strides = array<i32>} : memref<8192xf32, #tpu.memory_space<vmem>>, vector<16xf32>,
      %convert_element_type3A = arith.extui %lt3A_52 : i1 to i32
      %cond3A = arith.constant 0 : i32
      %cond3A_268 = arith.cmpi ne, %convert_element_type3A, %cond3A : i32
      scf.if %cond3A_268 {
        %add3A_435 = arith.constant 2 : i32
        %add3A_436 = arith.addi %mul3A_49, %add3A_435 : i32
        %mul3A_437 = arith.constant 4 : i32
        %mul3A_438 = arith.muli %add3A_436, %mul3A_437 : i32
        %add3A_439 = arith.constant 0 : i32
        %add3A_440 = arith.addi %mul3A_438, %add3A_439 : i32
        %mul3A_441 = arith.constant 64 : i32
        %mul3A_442 = arith.muli %add3A_440, %mul3A_441 : i32
        %dma_start3A_443 = arith.constant 0 : i32
        %dma_start3A_444 = arith.constant 0 : i32
        %dma_start3A_445 = tpu.memref_slice %arg7[%dma_start3A_443, %dma_start3A_444] : memref<224x128xf32, #tpu.memory_space<vmem>> -> memref<50x128xf32, #tpu.memory_space<vmem>>
        %dma_start3A_446 = tpu.memref_slice %arg6[%mul3A_442] : memref<8192xi32, #tpu.memory_space<vmem>> -> memref<50xi32, #tpu.memory_space<vmem>>
        %dma_start3A_447 = arith.constant 0 : i32
        %dma_start3A_448 = arith.constant 0 : i32
        %dma_start3A_449 = tpu.memref_slice %arg3[%dma_start3A_447, %dma_start3A_448] : memref<1000000x128xf32, #tpu.memory_space<hbm>> -> memref<1000000x128xf32, #tpu.memory_space<hbm>>
        tpu.enqueue_indirect_dma source(%dma_start3A_449 : memref<1000000x128xf32, #tpu.memory_space<hbm>>) target(%dma_start3A_445 : memref<50x128xf32, #tpu.memory_space<vmem>>) offsets(%dma_start3A_446 : memref<50xi32, #tpu.memory_space<vmem>>) semaphore(%arg10 : memref<!tpu.dma_semaphore, #tpu.memory_space<semaphore_mem>>)
        %mul3A_450 = arith.constant 4 : i32
        %mul3A_451 = arith.muli %add3A_436, %mul3A_450 : i32
        %add3A_452 = arith.constant 1 : i32
        %add3A_453 = arith.addi %mul3A_451, %add3A_452 : i32
        %mul3A_454 = arith.constant 64 : i32
        %mul3A_455 = arith.muli %add3A_453, %mul3A_454 : i32
        %dma_start3A_456 = arith.constant 56 : i32
        %dma_start3A_457 = arith.constant 0 : i32
        %dma_start3A_458 = tpu.memref_slice %arg7[%dma_start3A_456, %dma_start3A_457] : memref<224x128xf32, #tpu.memory_space<vmem>> -> memref<50x128xf32, #tpu.memory_space<vmem>>
        %dma_start3A_459 = tpu.memref_slice %arg6[%mul3A_455] : memref<8192xi32, #tpu.memory_space<vmem>> -> memref<50xi32, #tpu.memory_space<vmem>>
        %dma_start3A_460 = arith.constant 0 : i32
        %dma_start3A_461 = arith.constant 0 : i32
        %dma_start3A_462 = tpu.memref_slice %arg3[%dma_start3A_460, %dma_start3A_461] : memref<1000000x128xf32, #tpu.memory_space<hbm>> -> memref<1000000x128xf32, #tpu.memory_space<hbm>>
        tpu.enqueue_indirect_dma source(%dma_start3A_462 : memref<1000000x128xf32, #tpu.memory_space<hbm>>) target(%dma_start3A_458 : memref<50x128xf32, #tpu.memory_space<vmem>>) offsets(%dma_start3A_459 : memref<50xi32, #tpu.memory_space<vmem>>) semaphore(%arg10 : memref<!tpu.dma_semaphore, #tpu.memory_space<semaphore_mem>>)
        %mul3A_463 = arith.constant 4 : i32
        %mul3A_464 = arith.muli %add3A_436, %mul3A_463 : i32
        %add3A_465 = arith.constant 2 : i32
        %add3A_466 = arith.addi %mul3A_464, %add3A_465 : i32
        %mul3A_467 = arith.constant 64 : i32
        %mul3A_468 = arith.muli %add3A_466, %mul3A_467 : i32
        %dma_start3A_469 = arith.constant 112 : i32
        %dma_start3A_470 = arith.constant 0 : i32
        %dma_start3A_471 = tpu.memref_slice %arg7[%dma_start3A_469, %dma_start3A_470] : memref<224x128xf32, #tpu.memory_space<vmem>> -> memref<50x128xf32, #tpu.memory_space<vmem>>
        %dma_start3A_472 = tpu.memref_slice %arg6[%mul3A_468] : memref<8192xi32, #tpu.memory_space<vmem>> -> memref<50xi32, #tpu.memory_space<vmem>>
        %dma_start3A_473 = arith.constant 0 : i32
        %dma_start3A_474 = arith.constant 0 : i32
        %dma_start3A_475 = tpu.memref_slice %arg3[%dma_start3A_473, %dma_start3A_474] : memref<1000000x128xf32, #tpu.memory_space<hbm>> -> memref<1000000x128xf32, #tpu.memory_space<hbm>>
        tpu.enqueue_indirect_dma source(%dma_start3A_475 : memref<1000000x128xf32, #tpu.memory_space<hbm>>) target(%dma_start3A_471 : memref<50x128xf32, #tpu.memory_space<vmem>>) offsets(%dma_start3A_472 : memref<50xi32, #tpu.memory_space<vmem>>) semaphore(%arg10 : memref<!tpu.dma_semaphore, #tpu.memory_space<semaphore_mem>>)
        %mul3A_476 = arith.constant 4 : i32
        %mul3A_477 = arith.muli %add3A_436, %mul3A_476 : i32
        %add3A_478 = arith.constant 3 : i32
        %add3A_479 = arith.addi %mul3A_477, %add3A_478 : i32
        %mul3A_480 = arith.constant 64 : i32
        %mul3A_481 = arith.muli %add3A_479, %mul3A_480 : i32
        %dma_start3A_482 = arith.constant 168 : i32
        %dma_start3A_483 = arith.constant 0 : i32
        %dma_start3A_484 = tpu.memref_slice %arg7[%dma_start3A_482, %dma_start3A_483] : memref<224x128xf32, #tpu.memory_space<vmem>> -> memref<50x128xf32, #tpu.memory_space<vmem>>
        %dma_start3A_485 = tpu.memref_slice %arg6[%mul3A_481] : memref<8192xi32, #tpu.memory_space<vmem>> -> memref<50xi32, #tpu.memory_space<vmem>>
        %dma_start3A_486 = arith.constant 0 : i32
        %dma_start3A_487 = arith.constant 0 : i32
        %dma_start3A_488 = tpu.memref_slice %arg3[%dma_start3A_486, %dma_start3A_487] : memref<1000000x128xf32, #tpu.memory_space<hbm>> -> memref<1000000x128xf32, #tpu.memory_space<hbm>>
        tpu.enqueue_indirect_dma source(%dma_start3A_488 : memref<1000000x128xf32, #tpu.memory_space<hbm>>) target(%dma_start3A_484 : memref<50x128xf32, #tpu.memory_space<vmem>>) offsets(%dma_start3A_485 : memref<50xi32, #tpu.memory_space<vmem>>) semaphore(%arg10 : memref<!tpu.dma_semaphore, #tpu.memory_space<semaphore_mem>>)
      } else {
      }
      %dma_wait3A_269 = arith.constant 0 : i32
      %dma_wait3A_270 = arith.constant 0 : i32
      %dma_wait3A_271 = tpu.memref_slice %arg8[%dma_wait3A_269, %dma_wait3A_270] : memref<224x128xf32, #tpu.memory_space<vmem>> -> memref<200x128xf32, #tpu.memory_space<vmem>>
      %dma_wait3A_272 = arith.constant 0 : i32
      %dma_wait3A_273 = arith.constant 0 : i32
      %dma_wait3A_274 = tpu.memref_slice %arg3[%dma_wait3A_272, %dma_wait3A_273] : memref<1000000x128xf32, #tpu.memory_space<hbm>> -> memref<200x128xf32, #tpu.memory_space<hbm>>
      %dma_wait3A_275 = arith.constant 0 : i32
      %dma_wait3A_276 = arith.constant 0 : i32
      %dma_wait3A_277 = tpu.memref_slice %arg8[%dma_wait3A_275, %dma_wait3A_276] : memref<224x128xf32, #tpu.memory_space<vmem>> -> memref<200x128xf32, #tpu.memory_space<vmem>>
      %dma_wait3A_278 = arith.constant 0 : i32
      %dma_wait3A_279 = arith.constant 0 : i32
      %dma_wait3A_280 = tpu.memref_slice %arg3[%dma_wait3A_278, %dma_wait3A_279] : memref<1000000x128xf32, #tpu.memory_space<hbm>> -> memref<200x128xf32, #tpu.memory_space<hbm>>
      tpu.wait_dma2 semaphore(%arg11 : memref<!tpu.dma_semaphore, #tpu.memory_space<semaphore_mem>>) src(%dma_wait3A_280 : memref<200x128xf32, #tpu.memory_space<hbm>>) dst(%dma_wait3A_277 : memref<200x128xf32, #tpu.memory_space<vmem>>)
      %add3A_281 = arith.constant 1 : i32
      %add3A_282 = arith.addi %mul3A_49, %add3A_281 : i32
      %broadcast_in_dim3A_283 = arith.constant 0.000000e+00 : f32
      %broadcast_in_dim3A_284 = vector.broadcast %broadcast_in_dim3A_283 : f32 to vector<16xf32>
      %scan3A_285 = arith.constant 0 : i32
      %scan3A_286 = arith.constant 25 : i32
      %scan3A_287 = arith.addi %scan3A_285, %scan3A_286 : i32
      %scan3A_288 = arith.constant 1 : i32
      %scan3A_289:4 = scf.for %scan3A_435 = %scan3A_285 to %scan3A_287 step %scan3A_288 iter_args(%scan3A_436 = %broadcast_in_dim3A_284, %scan3A_437 = %broadcast_in_dim3A_284, %scan3A_438 = %broadcast_in_dim3A_284, %scan3A_439 = %broadcast_in_dim3A_284) -> (vector<16xf32>, vector<16xf32>, vector<16xf32>, vector<16xf32>)  : i32 {
        %mul3A_440 = arith.constant 2 : i32
        %mul3A_441 = arith.muli %scan3A_435, %mul3A_440 : i32
        %add3A_442 = arith.constant 0 : i32
        %add3A_443 = arith.addi %add3A_442, %mul3A_441 : i32
        %get3A = arith.index_cast %add3A_443 : i32 to index
        %get3A_444 = arith.constant 0 : index
        %get3A_445 = tpu.vector_load %arg8[%get3A, %get3A_444] {strides = array<i32>} : memref<224x128xf32, #tpu.memory_space<vmem>>, vector<1x16xf32>,
        %get3A_446 = vector.shape_cast %get3A_445 : vector<1x16xf32> to vector<16xf32>
        %add3A_447 = arith.addf %scan3A_436, %get3A_446 : vector<16xf32>
        %get3A_448 = arith.index_cast %add3A_443 : i32 to index
        %get3A_449 = arith.constant 16 : index
        %get3A_450 = tpu.vector_load %arg8[%get3A_448, %get3A_449] {strides = array<i32>} : memref<224x128xf32, #tpu.memory_space<vmem>>, vector<1x16xf32>,
        %get3A_451 = vector.shape_cast %get3A_450 : vector<1x16xf32> to vector<16xf32>
        %add3A_452 = arith.addf %scan3A_437, %get3A_451 : vector<16xf32>
        %get3A_453 = arith.index_cast %add3A_443 : i32 to index
        %get3A_454 = arith.constant 32 : index
        %get3A_455 = tpu.vector_load %arg8[%get3A_453, %get3A_454] {strides = array<i32>} : memref<224x128xf32, #tpu.memory_space<vmem>>, vector<1x16xf32>,
        %get3A_456 = vector.shape_cast %get3A_455 : vector<1x16xf32> to vector<16xf32>
        %add3A_457 = arith.addf %scan3A_438, %get3A_456 : vector<16xf32>
        %get3A_458 = arith.index_cast %add3A_443 : i32 to index
        %get3A_459 = arith.constant 48 : index
        %get3A_460 = tpu.vector_load %arg8[%get3A_458, %get3A_459] {strides = array<i32>} : memref<224x128xf32, #tpu.memory_space<vmem>>, vector<1x16xf32>,
        %get3A_461 = vector.shape_cast %get3A_460 : vector<1x16xf32> to vector<16xf32>
        %add3A_462 = arith.addf %scan3A_439, %get3A_461 : vector<16xf32>
        %add3A_463 = arith.constant 1 : i32
        %add3A_464 = arith.addi %add3A_443, %add3A_463 : i32
        %get3A_465 = arith.index_cast %add3A_464 : i32 to index
        %get3A_466 = arith.constant 0 : index
        %get3A_467 = tpu.vector_load %arg8[%get3A_465, %get3A_466] {strides = array<i32>} : memref<224x128xf32, #tpu.memory_space<vmem>>, vector<1x16xf32>,
        %get3A_468 = vector.shape_cast %get3A_467 : vector<1x16xf32> to vector<16xf32>
        %add3A_469 = arith.addf %add3A_447, %get3A_468 : vector<16xf32>
        %add3A_470 = arith.constant 1 : i32
        %add3A_471 = arith.addi %add3A_443, %add3A_470 : i32
        %get3A_472 = arith.index_cast %add3A_471 : i32 to index
        %get3A_473 = arith.constant 16 : index
        %get3A_474 = tpu.vector_load %arg8[%get3A_472, %get3A_473] {strides = array<i32>} : memref<224x128xf32, #tpu.memory_space<vmem>>, vector<1x16xf32>,
        %get3A_475 = vector.shape_cast %get3A_474 : vector<1x16xf32> to vector<16xf32>
        %add3A_476 = arith.addf %add3A_452, %get3A_475 : vector<16xf32>
        %add3A_477 = arith.constant 1 : i32
        %add3A_478 = arith.addi %add3A_443, %add3A_477 : i32
        %get3A_479 = arith.index_cast %add3A_478 : i32 to index
        %get3A_480 = arith.constant 32 : index
        %get3A_481 = tpu.vector_load %arg8[%get3A_479, %get3A_480] {strides = array<i32>} : memref<224x128xf32, #tpu.memory_space<vmem>>, vector<1x16xf32>,
        %get3A_482 = vector.shape_cast %get3A_481 : vector<1x16xf32> to vector<16xf32>
        %add3A_483 = arith.addf %add3A_457, %get3A_482 : vector<16xf32>
        %add3A_484 = arith.constant 1 : i32
        %add3A_485 = arith.addi %add3A_443, %add3A_484 : i32
        %get3A_486 = arith.index_cast %add3A_485 : i32 to index
        %get3A_487 = arith.constant 48 : index
        %get3A_488 = tpu.vector_load %arg8[%get3A_486, %get3A_487] {strides = array<i32>} : memref<224x128xf32, #tpu.memory_space<vmem>>, vector<1x16xf32>,
        %get3A_489 = vector.shape_cast %get3A_488 : vector<1x16xf32> to vector<16xf32>
        %add3A_490 = arith.addf %add3A_462, %get3A_489 : vector<16xf32>
        scf.yield %add3A_469, %add3A_476, %add3A_483, %add3A_490 : vector<16xf32>, vector<16xf32>, vector<16xf32>, vector<16xf32>
      }
      %scan3A_290 = arith.constant 25 : i32
      %mul3A_291 = arith.constant 4 : i32
      %mul3A_292 = arith.muli %add3A_282, %mul3A_291 : i32
      %add3A_293 = arith.constant 0 : i32
      %add3A_294 = arith.addi %mul3A_292, %add3A_293 : i32
      %mul3A_295 = arith.constant 64 : i32
      %mul3A_296 = arith.muli %add3A_294, %mul3A_295 : i32
      %add3A_297 = arith.constant 0 : i32
      %add3A_298 = arith.addi %mul3A_296, %add3A_297 : i32
      %swap3A_299 = arith.index_cast %add3A_298 : i32 to index
      %swap3A_300 = tpu.vector_load %arg9[%swap3A_299] {strides = array<i32>} : memref<8192xf32, #tpu.memory_space<vmem>>, vector<16xf32>,
      %swap3A_301 = vector.shape_cast %swap3A_300 : vector<16xf32> to vector<16xf32>
      %swap3A_302 = vector.shape_cast %scan3A_289#0 : vector<16xf32> to vector<16xf32>
      tpu.vector_store %arg9[%swap3A_299], %swap3A_302 {strides = array<i32>} : memref<8192xf32, #tpu.memory_space<vmem>>, vector<16xf32>,
      %add3A_303 = arith.constant 16 : i32
      %add3A_304 = arith.addi %mul3A_296, %add3A_303 : i32
      %swap3A_305 = arith.index_cast %add3A_304 : i32 to index
      %swap3A_306 = tpu.vector_load %arg9[%swap3A_305] {strides = array<i32>} : memref<8192xf32, #tpu.memory_space<vmem>>, vector<16xf32>,
      %swap3A_307 = vector.shape_cast %swap3A_306 : vector<16xf32> to vector<16xf32>
      %swap3A_308 = vector.shape_cast %scan3A_289#1 : vector<16xf32> to vector<16xf32>
      tpu.vector_store %arg9[%swap3A_305], %swap3A_308 {strides = array<i32>} : memref<8192xf32, #tpu.memory_space<vmem>>, vector<16xf32>,
      %add3A_309 = arith.constant 32 : i32
      %add3A_310 = arith.addi %mul3A_296, %add3A_309 : i32
      %swap3A_311 = arith.index_cast %add3A_310 : i32 to index
      %swap3A_312 = tpu.vector_load %arg9[%swap3A_311] {strides = array<i32>} : memref<8192xf32, #tpu.memory_space<vmem>>, vector<16xf32>,
      %swap3A_313 = vector.shape_cast %swap3A_312 : vector<16xf32> to vector<16xf32>
      %swap3A_314 = vector.shape_cast %scan3A_289#2 : vector<16xf32> to vector<16xf32>
      tpu.vector_store %arg9[%swap3A_311], %swap3A_314 {strides = array<i32>} : memref<8192xf32, #tpu.memory_space<vmem>>, vector<16xf32>,
      %add3A_315 = arith.constant 48 : i32
      %add3A_316 = arith.addi %mul3A_296, %add3A_315 : i32
      %swap3A_317 = arith.index_cast %add3A_316 : i32 to index
      %swap3A_318 = tpu.vector_load %arg9[%swap3A_317] {strides = array<i32>} : memref<8192xf32, #tpu.memory_space<vmem>>, vector<16xf32>,
      %swap3A_319 = vector.shape_cast %swap3A_318 : vector<16xf32> to vector<16xf32>
      %swap3A_320 = vector.shape_cast %scan3A_289#3 : vector<16xf32> to vector<16xf32>
      tpu.vector_store %arg9[%swap3A_317], %swap3A_320 {strides = array<i32>} : memref<8192xf32, #tpu.memory_space<vmem>>, vector<16xf32>,
      %broadcast_in_dim3A_321 = arith.constant 0.000000e+00 : f32
      %broadcast_in_dim3A_322 = vector.broadcast %broadcast_in_dim3A_321 : f32 to vector<16xf32>
      %scan3A_323 = arith.constant 0 : i32
      %scan3A_324 = arith.constant 25 : i32
      %scan3A_325 = arith.addi %scan3A_323, %scan3A_324 : i32
      %scan3A_326 = arith.constant 1 : i32
      %scan3A_327:4 = scf.for %scan3A_435 = %scan3A_323 to %scan3A_325 step %scan3A_326 iter_args(%scan3A_436 = %broadcast_in_dim3A_322, %scan3A_437 = %broadcast_in_dim3A_322, %scan3A_438 = %broadcast_in_dim3A_322, %scan3A_439 = %broadcast_in_dim3A_322) -> (vector<16xf32>, vector<16xf32>, vector<16xf32>, vector<16xf32>)  : i32 {
        %mul3A_440 = arith.constant 2 : i32
        %mul3A_441 = arith.muli %scan3A_435, %mul3A_440 : i32
        %add3A_442 = arith.constant 56 : i32
        %add3A_443 = arith.addi %add3A_442, %mul3A_441 : i32
        %get3A = arith.index_cast %add3A_443 : i32 to index
        %get3A_444 = arith.constant 0 : index
        %get3A_445 = tpu.vector_load %arg8[%get3A, %get3A_444] {strides = array<i32>} : memref<224x128xf32, #tpu.memory_space<vmem>>, vector<1x16xf32>,
        %get3A_446 = vector.shape_cast %get3A_445 : vector<1x16xf32> to vector<16xf32>
        %add3A_447 = arith.addf %scan3A_436, %get3A_446 : vector<16xf32>
        %get3A_448 = arith.index_cast %add3A_443 : i32 to index
        %get3A_449 = arith.constant 16 : index
        %get3A_450 = tpu.vector_load %arg8[%get3A_448, %get3A_449] {strides = array<i32>} : memref<224x128xf32, #tpu.memory_space<vmem>>, vector<1x16xf32>,
        %get3A_451 = vector.shape_cast %get3A_450 : vector<1x16xf32> to vector<16xf32>
        %add3A_452 = arith.addf %scan3A_437, %get3A_451 : vector<16xf32>
        %get3A_453 = arith.index_cast %add3A_443 : i32 to index
        %get3A_454 = arith.constant 32 : index
        %get3A_455 = tpu.vector_load %arg8[%get3A_453, %get3A_454] {strides = array<i32>} : memref<224x128xf32, #tpu.memory_space<vmem>>, vector<1x16xf32>,
        %get3A_456 = vector.shape_cast %get3A_455 : vector<1x16xf32> to vector<16xf32>
        %add3A_457 = arith.addf %scan3A_438, %get3A_456 : vector<16xf32>
        %get3A_458 = arith.index_cast %add3A_443 : i32 to index
        %get3A_459 = arith.constant 48 : index
        %get3A_460 = tpu.vector_load %arg8[%get3A_458, %get3A_459] {strides = array<i32>} : memref<224x128xf32, #tpu.memory_space<vmem>>, vector<1x16xf32>,
        %get3A_461 = vector.shape_cast %get3A_460 : vector<1x16xf32> to vector<16xf32>
        %add3A_462 = arith.addf %scan3A_439, %get3A_461 : vector<16xf32>
        %add3A_463 = arith.constant 1 : i32
        %add3A_464 = arith.addi %add3A_443, %add3A_463 : i32
        %get3A_465 = arith.index_cast %add3A_464 : i32 to index
        %get3A_466 = arith.constant 0 : index
        %get3A_467 = tpu.vector_load %arg8[%get3A_465, %get3A_466] {strides = array<i32>} : memref<224x128xf32, #tpu.memory_space<vmem>>, vector<1x16xf32>,
        %get3A_468 = vector.shape_cast %get3A_467 : vector<1x16xf32> to vector<16xf32>
        %add3A_469 = arith.addf %add3A_447, %get3A_468 : vector<16xf32>
        %add3A_470 = arith.constant 1 : i32
        %add3A_471 = arith.addi %add3A_443, %add3A_470 : i32
        %get3A_472 = arith.index_cast %add3A_471 : i32 to index
        %get3A_473 = arith.constant 16 : index
        %get3A_474 = tpu.vector_load %arg8[%get3A_472, %get3A_473] {strides = array<i32>} : memref<224x128xf32, #tpu.memory_space<vmem>>, vector<1x16xf32>,
        %get3A_475 = vector.shape_cast %get3A_474 : vector<1x16xf32> to vector<16xf32>
        %add3A_476 = arith.addf %add3A_452, %get3A_475 : vector<16xf32>
        %add3A_477 = arith.constant 1 : i32
        %add3A_478 = arith.addi %add3A_443, %add3A_477 : i32
        %get3A_479 = arith.index_cast %add3A_478 : i32 to index
        %get3A_480 = arith.constant 32 : index
        %get3A_481 = tpu.vector_load %arg8[%get3A_479, %get3A_480] {strides = array<i32>} : memref<224x128xf32, #tpu.memory_space<vmem>>, vector<1x16xf32>,
        %get3A_482 = vector.shape_cast %get3A_481 : vector<1x16xf32> to vector<16xf32>
        %add3A_483 = arith.addf %add3A_457, %get3A_482 : vector<16xf32>
        %add3A_484 = arith.constant 1 : i32
        %add3A_485 = arith.addi %add3A_443, %add3A_484 : i32
        %get3A_486 = arith.index_cast %add3A_485 : i32 to index
        %get3A_487 = arith.constant 48 : index
        %get3A_488 = tpu.vector_load %arg8[%get3A_486, %get3A_487] {strides = array<i32>} : memref<224x128xf32, #tpu.memory_space<vmem>>, vector<1x16xf32>,
        %get3A_489 = vector.shape_cast %get3A_488 : vector<1x16xf32> to vector<16xf32>
        %add3A_490 = arith.addf %add3A_462, %get3A_489 : vector<16xf32>
        scf.yield %add3A_469, %add3A_476, %add3A_483, %add3A_490 : vector<16xf32>, vector<16xf32>, vector<16xf32>, vector<16xf32>
      }
      %scan3A_328 = arith.constant 25 : i32
      %mul3A_329 = arith.constant 4 : i32
      %mul3A_330 = arith.muli %add3A_282, %mul3A_329 : i32
      %add3A_331 = arith.constant 1 : i32
      %add3A_332 = arith.addi %mul3A_330, %add3A_331 : i32
      %mul3A_333 = arith.constant 64 : i32
      %mul3A_334 = arith.muli %add3A_332, %mul3A_333 : i32
      %add3A_335 = arith.constant 0 : i32
      %add3A_336 = arith.addi %mul3A_334, %add3A_335 : i32
      %swap3A_337 = arith.index_cast %add3A_336 : i32 to index
      %swap3A_338 = tpu.vector_load %arg9[%swap3A_337] {strides = array<i32>} : memref<8192xf32, #tpu.memory_space<vmem>>, vector<16xf32>,
      %swap3A_339 = vector.shape_cast %swap3A_338 : vector<16xf32> to vector<16xf32>
      %swap3A_340 = vector.shape_cast %scan3A_327#0 : vector<16xf32> to vector<16xf32>
      tpu.vector_store %arg9[%swap3A_337], %swap3A_340 {strides = array<i32>} : memref<8192xf32, #tpu.memory_space<vmem>>, vector<16xf32>,
      %add3A_341 = arith.constant 16 : i32
      %add3A_342 = arith.addi %mul3A_334, %add3A_341 : i32
      %swap3A_343 = arith.index_cast %add3A_342 : i32 to index
      %swap3A_344 = tpu.vector_load %arg9[%swap3A_343] {strides = array<i32>} : memref<8192xf32, #tpu.memory_space<vmem>>, vector<16xf32>,
      %swap3A_345 = vector.shape_cast %swap3A_344 : vector<16xf32> to vector<16xf32>
      %swap3A_346 = vector.shape_cast %scan3A_327#1 : vector<16xf32> to vector<16xf32>
      tpu.vector_store %arg9[%swap3A_343], %swap3A_346 {strides = array<i32>} : memref<8192xf32, #tpu.memory_space<vmem>>, vector<16xf32>,
      %add3A_347 = arith.constant 32 : i32
      %add3A_348 = arith.addi %mul3A_334, %add3A_347 : i32
      %swap3A_349 = arith.index_cast %add3A_348 : i32 to index
      %swap3A_350 = tpu.vector_load %arg9[%swap3A_349] {strides = array<i32>} : memref<8192xf32, #tpu.memory_space<vmem>>, vector<16xf32>,
      %swap3A_351 = vector.shape_cast %swap3A_350 : vector<16xf32> to vector<16xf32>
      %swap3A_352 = vector.shape_cast %scan3A_327#2 : vector<16xf32> to vector<16xf32>
      tpu.vector_store %arg9[%swap3A_349], %swap3A_352 {strides = array<i32>} : memref<8192xf32, #tpu.memory_space<vmem>>, vector<16xf32>,
      %add3A_353 = arith.constant 48 : i32
      %add3A_354 = arith.addi %mul3A_334, %add3A_353 : i32
      %swap3A_355 = arith.index_cast %add3A_354 : i32 to index
      %swap3A_356 = tpu.vector_load %arg9[%swap3A_355] {strides = array<i32>} : memref<8192xf32, #tpu.memory_space<vmem>>, vector<16xf32>,
      %swap3A_357 = vector.shape_cast %swap3A_356 : vector<16xf32> to vector<16xf32>
      %swap3A_358 = vector.shape_cast %scan3A_327#3 : vector<16xf32> to vector<16xf32>
      tpu.vector_store %arg9[%swap3A_355], %swap3A_358 {strides = array<i32>} : memref<8192xf32, #tpu.memory_space<vmem>>, vector<16xf32>,
      %broadcast_in_dim3A_359 = arith.constant 0.000000e+00 : f32
      %broadcast_in_dim3A_360 = vector.broadcast %broadcast_in_dim3A_359 : f32 to vector<16xf32>
      %scan3A_361 = arith.constant 0 : i32
      %scan3A_362 = arith.constant 25 : i32
      %scan3A_363 = arith.addi %scan3A_361, %scan3A_362 : i32
      %scan3A_364 = arith.constant 1 : i32
      %scan3A_365:4 = scf.for %scan3A_435 = %scan3A_361 to %scan3A_363 step %scan3A_364 iter_args(%scan3A_436 = %broadcast_in_dim3A_360, %scan3A_437 = %broadcast_in_dim3A_360, %scan3A_438 = %broadcast_in_dim3A_360, %scan3A_439 = %broadcast_in_dim3A_360) -> (vector<16xf32>, vector<16xf32>, vector<16xf32>, vector<16xf32>)  : i32 {
        %mul3A_440 = arith.constant 2 : i32
        %mul3A_441 = arith.muli %scan3A_435, %mul3A_440 : i32
        %add3A_442 = arith.constant 112 : i32
        %add3A_443 = arith.addi %add3A_442, %mul3A_441 : i32
        %get3A = arith.index_cast %add3A_443 : i32 to index
        %get3A_444 = arith.constant 0 : index
        %get3A_445 = tpu.vector_load %arg8[%get3A, %get3A_444] {strides = array<i32>} : memref<224x128xf32, #tpu.memory_space<vmem>>, vector<1x16xf32>,
        %get3A_446 = vector.shape_cast %get3A_445 : vector<1x16xf32> to vector<16xf32>
        %add3A_447 = arith.addf %scan3A_436, %get3A_446 : vector<16xf32>
        %get3A_448 = arith.index_cast %add3A_443 : i32 to index
        %get3A_449 = arith.constant 16 : index
        %get3A_450 = tpu.vector_load %arg8[%get3A_448, %get3A_449] {strides = array<i32>} : memref<224x128xf32, #tpu.memory_space<vmem>>, vector<1x16xf32>,
        %get3A_451 = vector.shape_cast %get3A_450 : vector<1x16xf32> to vector<16xf32>
        %add3A_452 = arith.addf %scan3A_437, %get3A_451 : vector<16xf32>
        %get3A_453 = arith.index_cast %add3A_443 : i32 to index
        %get3A_454 = arith.constant 32 : index
        %get3A_455 = tpu.vector_load %arg8[%get3A_453, %get3A_454] {strides = array<i32>} : memref<224x128xf32, #tpu.memory_space<vmem>>, vector<1x16xf32>,
        %get3A_456 = vector.shape_cast %get3A_455 : vector<1x16xf32> to vector<16xf32>
        %add3A_457 = arith.addf %scan3A_438, %get3A_456 : vector<16xf32>
        %get3A_458 = arith.index_cast %add3A_443 : i32 to index
        %get3A_459 = arith.constant 48 : index
        %get3A_460 = tpu.vector_load %arg8[%get3A_458, %get3A_459] {strides = array<i32>} : memref<224x128xf32, #tpu.memory_space<vmem>>, vector<1x16xf32>,
        %get3A_461 = vector.shape_cast %get3A_460 : vector<1x16xf32> to vector<16xf32>
        %add3A_462 = arith.addf %scan3A_439, %get3A_461 : vector<16xf32>
        %add3A_463 = arith.constant 1 : i32
        %add3A_464 = arith.addi %add3A_443, %add3A_463 : i32
        %get3A_465 = arith.index_cast %add3A_464 : i32 to index
        %get3A_466 = arith.constant 0 : index
        %get3A_467 = tpu.vector_load %arg8[%get3A_465, %get3A_466] {strides = array<i32>} : memref<224x128xf32, #tpu.memory_space<vmem>>, vector<1x16xf32>,
        %get3A_468 = vector.shape_cast %get3A_467 : vector<1x16xf32> to vector<16xf32>
        %add3A_469 = arith.addf %add3A_447, %get3A_468 : vector<16xf32>
        %add3A_470 = arith.constant 1 : i32
        %add3A_471 = arith.addi %add3A_443, %add3A_470 : i32
        %get3A_472 = arith.index_cast %add3A_471 : i32 to index
        %get3A_473 = arith.constant 16 : index
        %get3A_474 = tpu.vector_load %arg8[%get3A_472, %get3A_473] {strides = array<i32>} : memref<224x128xf32, #tpu.memory_space<vmem>>, vector<1x16xf32>,
        %get3A_475 = vector.shape_cast %get3A_474 : vector<1x16xf32> to vector<16xf32>
        %add3A_476 = arith.addf %add3A_452, %get3A_475 : vector<16xf32>
        %add3A_477 = arith.constant 1 : i32
        %add3A_478 = arith.addi %add3A_443, %add3A_477 : i32
        %get3A_479 = arith.index_cast %add3A_478 : i32 to index
        %get3A_480 = arith.constant 32 : index
        %get3A_481 = tpu.vector_load %arg8[%get3A_479, %get3A_480] {strides = array<i32>} : memref<224x128xf32, #tpu.memory_space<vmem>>, vector<1x16xf32>,
        %get3A_482 = vector.shape_cast %get3A_481 : vector<1x16xf32> to vector<16xf32>
        %add3A_483 = arith.addf %add3A_457, %get3A_482 : vector<16xf32>
        %add3A_484 = arith.constant 1 : i32
        %add3A_485 = arith.addi %add3A_443, %add3A_484 : i32
        %get3A_486 = arith.index_cast %add3A_485 : i32 to index
        %get3A_487 = arith.constant 48 : index
        %get3A_488 = tpu.vector_load %arg8[%get3A_486, %get3A_487] {strides = array<i32>} : memref<224x128xf32, #tpu.memory_space<vmem>>, vector<1x16xf32>,
        %get3A_489 = vector.shape_cast %get3A_488 : vector<1x16xf32> to vector<16xf32>
        %add3A_490 = arith.addf %add3A_462, %get3A_489 : vector<16xf32>
        scf.yield %add3A_469, %add3A_476, %add3A_483, %add3A_490 : vector<16xf32>, vector<16xf32>, vector<16xf32>, vector<16xf32>
      }
      %scan3A_366 = arith.constant 25 : i32
      %mul3A_367 = arith.constant 4 : i32
      %mul3A_368 = arith.muli %add3A_282, %mul3A_367 : i32
      %add3A_369 = arith.constant 2 : i32
      %add3A_370 = arith.addi %mul3A_368, %add3A_369 : i32
      %mul3A_371 = arith.constant 64 : i32
      %mul3A_372 = arith.muli %add3A_370, %mul3A_371 : i32
      %add3A_373 = arith.constant 0 : i32
      %add3A_374 = arith.addi %mul3A_372, %add3A_373 : i32
      %swap3A_375 = arith.index_cast %add3A_374 : i32 to index
      %swap3A_376 = tpu.vector_load %arg9[%swap3A_375] {strides = array<i32>} : memref<8192xf32, #tpu.memory_space<vmem>>, vector<16xf32>,
      %swap3A_377 = vector.shape_cast %swap3A_376 : vector<16xf32> to vector<16xf32>
      %swap3A_378 = vector.shape_cast %scan3A_365#0 : vector<16xf32> to vector<16xf32>
      tpu.vector_store %arg9[%swap3A_375], %swap3A_378 {strides = array<i32>} : memref<8192xf32, #tpu.memory_space<vmem>>, vector<16xf32>,
      %add3A_379 = arith.constant 16 : i32
      %add3A_380 = arith.addi %mul3A_372, %add3A_379 : i32
      %swap3A_381 = arith.index_cast %add3A_380 : i32 to index
      %swap3A_382 = tpu.vector_load %arg9[%swap3A_381] {strides = array<i32>} : memref<8192xf32, #tpu.memory_space<vmem>>, vector<16xf32>,
      %swap3A_383 = vector.shape_cast %swap3A_382 : vector<16xf32> to vector<16xf32>
      %swap3A_384 = vector.shape_cast %scan3A_365#1 : vector<16xf32> to vector<16xf32>
      tpu.vector_store %arg9[%swap3A_381], %swap3A_384 {strides = array<i32>} : memref<8192xf32, #tpu.memory_space<vmem>>, vector<16xf32>,
      %add3A_385 = arith.constant 32 : i32
      %add3A_386 = arith.addi %mul3A_372, %add3A_385 : i32
      %swap3A_387 = arith.index_cast %add3A_386 : i32 to index
      %swap3A_388 = tpu.vector_load %arg9[%swap3A_387] {strides = array<i32>} : memref<8192xf32, #tpu.memory_space<vmem>>, vector<16xf32>,
      %swap3A_389 = vector.shape_cast %swap3A_388 : vector<16xf32> to vector<16xf32>
      %swap3A_390 = vector.shape_cast %scan3A_365#2 : vector<16xf32> to vector<16xf32>
      tpu.vector_store %arg9[%swap3A_387], %swap3A_390 {strides = array<i32>} : memref<8192xf32, #tpu.memory_space<vmem>>, vector<16xf32>,
      %add3A_391 = arith.constant 48 : i32
      %add3A_392 = arith.addi %mul3A_372, %add3A_391 : i32
      %swap3A_393 = arith.index_cast %add3A_392 : i32 to index
      %swap3A_394 = tpu.vector_load %arg9[%swap3A_393] {strides = array<i32>} : memref<8192xf32, #tpu.memory_space<vmem>>, vector<16xf32>,
      %swap3A_395 = vector.shape_cast %swap3A_394 : vector<16xf32> to vector<16xf32>
      %swap3A_396 = vector.shape_cast %scan3A_365#3 : vector<16xf32> to vector<16xf32>
      tpu.vector_store %arg9[%swap3A_393], %swap3A_396 {strides = array<i32>} : memref<8192xf32, #tpu.memory_space<vmem>>, vector<16xf32>,
      %broadcast_in_dim3A_397 = arith.constant 0.000000e+00 : f32
      %broadcast_in_dim3A_398 = vector.broadcast %broadcast_in_dim3A_397 : f32 to vector<16xf32>
      %scan3A_399 = arith.constant 0 : i32
      %scan3A_400 = arith.constant 25 : i32
      %scan3A_401 = arith.addi %scan3A_399, %scan3A_400 : i32
      %scan3A_402 = arith.constant 1 : i32
      %scan3A_403:4 = scf.for %scan3A_435 = %scan3A_399 to %scan3A_401 step %scan3A_402 iter_args(%scan3A_436 = %broadcast_in_dim3A_398, %scan3A_437 = %broadcast_in_dim3A_398, %scan3A_438 = %broadcast_in_dim3A_398, %scan3A_439 = %broadcast_in_dim3A_398) -> (vector<16xf32>, vector<16xf32>, vector<16xf32>, vector<16xf32>)  : i32 {
        %mul3A_440 = arith.constant 2 : i32
        %mul3A_441 = arith.muli %scan3A_435, %mul3A_440 : i32
        %add3A_442 = arith.constant 168 : i32
        %add3A_443 = arith.addi %add3A_442, %mul3A_441 : i32
        %get3A = arith.index_cast %add3A_443 : i32 to index
        %get3A_444 = arith.constant 0 : index
        %get3A_445 = tpu.vector_load %arg8[%get3A, %get3A_444] {strides = array<i32>} : memref<224x128xf32, #tpu.memory_space<vmem>>, vector<1x16xf32>,
        %get3A_446 = vector.shape_cast %get3A_445 : vector<1x16xf32> to vector<16xf32>
        %add3A_447 = arith.addf %scan3A_436, %get3A_446 : vector<16xf32>
        %get3A_448 = arith.index_cast %add3A_443 : i32 to index
        %get3A_449 = arith.constant 16 : index
        %get3A_450 = tpu.vector_load %arg8[%get3A_448, %get3A_449] {strides = array<i32>} : memref<224x128xf32, #tpu.memory_space<vmem>>, vector<1x16xf32>,
        %get3A_451 = vector.shape_cast %get3A_450 : vector<1x16xf32> to vector<16xf32>
        %add3A_452 = arith.addf %scan3A_437, %get3A_451 : vector<16xf32>
        %get3A_453 = arith.index_cast %add3A_443 : i32 to index
        %get3A_454 = arith.constant 32 : index
        %get3A_455 = tpu.vector_load %arg8[%get3A_453, %get3A_454] {strides = array<i32>} : memref<224x128xf32, #tpu.memory_space<vmem>>, vector<1x16xf32>,
        %get3A_456 = vector.shape_cast %get3A_455 : vector<1x16xf32> to vector<16xf32>
        %add3A_457 = arith.addf %scan3A_438, %get3A_456 : vector<16xf32>
        %get3A_458 = arith.index_cast %add3A_443 : i32 to index
        %get3A_459 = arith.constant 48 : index
        %get3A_460 = tpu.vector_load %arg8[%get3A_458, %get3A_459] {strides = array<i32>} : memref<224x128xf32, #tpu.memory_space<vmem>>, vector<1x16xf32>,
        %get3A_461 = vector.shape_cast %get3A_460 : vector<1x16xf32> to vector<16xf32>
        %add3A_462 = arith.addf %scan3A_439, %get3A_461 : vector<16xf32>
        %add3A_463 = arith.constant 1 : i32
        %add3A_464 = arith.addi %add3A_443, %add3A_463 : i32
        %get3A_465 = arith.index_cast %add3A_464 : i32 to index
        %get3A_466 = arith.constant 0 : index
        %get3A_467 = tpu.vector_load %arg8[%get3A_465, %get3A_466] {strides = array<i32>} : memref<224x128xf32, #tpu.memory_space<vmem>>, vector<1x16xf32>,
        %get3A_468 = vector.shape_cast %get3A_467 : vector<1x16xf32> to vector<16xf32>
        %add3A_469 = arith.addf %add3A_447, %get3A_468 : vector<16xf32>
        %add3A_470 = arith.constant 1 : i32
        %add3A_471 = arith.addi %add3A_443, %add3A_470 : i32
        %get3A_472 = arith.index_cast %add3A_471 : i32 to index
        %get3A_473 = arith.constant 16 : index
        %get3A_474 = tpu.vector_load %arg8[%get3A_472, %get3A_473] {strides = array<i32>} : memref<224x128xf32, #tpu.memory_space<vmem>>, vector<1x16xf32>,
        %get3A_475 = vector.shape_cast %get3A_474 : vector<1x16xf32> to vector<16xf32>
        %add3A_476 = arith.addf %add3A_452, %get3A_475 : vector<16xf32>
        %add3A_477 = arith.constant 1 : i32
        %add3A_478 = arith.addi %add3A_443, %add3A_477 : i32
        %get3A_479 = arith.index_cast %add3A_478 : i32 to index
        %get3A_480 = arith.constant 32 : index
        %get3A_481 = tpu.vector_load %arg8[%get3A_479, %get3A_480] {strides = array<i32>} : memref<224x128xf32, #tpu.memory_space<vmem>>, vector<1x16xf32>,
        %get3A_482 = vector.shape_cast %get3A_481 : vector<1x16xf32> to vector<16xf32>
        %add3A_483 = arith.addf %add3A_457, %get3A_482 : vector<16xf32>
        %add3A_484 = arith.constant 1 : i32
        %add3A_485 = arith.addi %add3A_443, %add3A_484 : i32
        %get3A_486 = arith.index_cast %add3A_485 : i32 to index
        %get3A_487 = arith.constant 48 : index
        %get3A_488 = tpu.vector_load %arg8[%get3A_486, %get3A_487] {strides = array<i32>} : memref<224x128xf32, #tpu.memory_space<vmem>>, vector<1x16xf32>,
        %get3A_489 = vector.shape_cast %get3A_488 : vector<1x16xf32> to vector<16xf32>
        %add3A_490 = arith.addf %add3A_462, %get3A_489 : vector<16xf32>
        scf.yield %add3A_469, %add3A_476, %add3A_483, %add3A_490 : vector<16xf32>, vector<16xf32>, vector<16xf32>, vector<16xf32>
      }
      %scan3A_404 = arith.constant 25 : i32
      %mul3A_405 = arith.constant 4 : i32
      %mul3A_406 = arith.muli %add3A_282, %mul3A_405 : i32
      %add3A_407 = arith.constant 3 : i32
      %add3A_408 = arith.addi %mul3A_406, %add3A_407 : i32
      %mul3A_409 = arith.constant 64 : i32
      %mul3A_410 = arith.muli %add3A_408, %mul3A_409 : i32
      %add3A_411 = arith.constant 0 : i32
      %add3A_412 = arith.addi %mul3A_410, %add3A_411 : i32
      %swap3A_413 = arith.index_cast %add3A_412 : i32 to index
      %swap3A_414 = tpu.vector_load %arg9[%swap3A_413] {strides = array<i32>} : memref<8192xf32, #tpu.memory_space<vmem>>, vector<16xf32>,
      %swap3A_415 = vector.shape_cast %swap3A_414 : vector<16xf32> to vector<16xf32>
      %swap3A_416 = vector.shape_cast %scan3A_403#0 : vector<16xf32> to vector<16xf32>
      tpu.vector_store %arg9[%swap3A_413], %swap3A_416 {strides = array<i32>} : memref<8192xf32, #tpu.memory_space<vmem>>, vector<16xf32>,
      %add3A_417 = arith.constant 16 : i32
      %add3A_418 = arith.addi %mul3A_410, %add3A_417 : i32
      %swap3A_419 = arith.index_cast %add3A_418 : i32 to index
      %swap3A_420 = tpu.vector_load %arg9[%swap3A_419] {strides = array<i32>} : memref<8192xf32, #tpu.memory_space<vmem>>, vector<16xf32>,
      %swap3A_421 = vector.shape_cast %swap3A_420 : vector<16xf32> to vector<16xf32>
      %swap3A_422 = vector.shape_cast %scan3A_403#1 : vector<16xf32> to vector<16xf32>
      tpu.vector_store %arg9[%swap3A_419], %swap3A_422 {strides = array<i32>} : memref<8192xf32, #tpu.memory_space<vmem>>, vector<16xf32>,
      %add3A_423 = arith.constant 32 : i32
      %add3A_424 = arith.addi %mul3A_410, %add3A_423 : i32
      %swap3A_425 = arith.index_cast %add3A_424 : i32 to index
      %swap3A_426 = tpu.vector_load %arg9[%swap3A_425] {strides = array<i32>} : memref<8192xf32, #tpu.memory_space<vmem>>, vector<16xf32>,
      %swap3A_427 = vector.shape_cast %swap3A_426 : vector<16xf32> to vector<16xf32>
      %swap3A_428 = vector.shape_cast %scan3A_403#2 : vector<16xf32> to vector<16xf32>
      tpu.vector_store %arg9[%swap3A_425], %swap3A_428 {strides = array<i32>} : memref<8192xf32, #tpu.memory_space<vmem>>, vector<16xf32>,
      %add3A_429 = arith.constant 48 : i32
      %add3A_430 = arith.addi %mul3A_410, %add3A_429 : i32
      %swap3A_431 = arith.index_cast %add3A_430 : i32 to index
      %swap3A_432 = tpu.vector_load %arg9[%swap3A_431] {strides = array<i32>} : memref<8192xf32, #tpu.memory_space<vmem>>, vector<16xf32>,
      %swap3A_433 = vector.shape_cast %swap3A_432 : vector<16xf32> to vector<16xf32>
      %swap3A_434 = vector.shape_cast %scan3A_403#3 : vector<16xf32> to vector<16xf32>
      tpu.vector_store %arg9[%swap3A_431], %swap3A_434 {strides = array<i32>} : memref<8192xf32, #tpu.memory_space<vmem>>, vector<16xf32>,
    }
    %scan3A_44 = arith.constant 16 : i32
    %mul3A_45 = arith.constant 8192 : i32
    %mul3A_46 = arith.muli %add3A, %mul3A_45 : i32
    "tpu.region"() ({
      %run_scoped3A = tpu.sem_alloc : memref<!tpu.dma_semaphore, #tpu.memory_space<semaphore_mem>>
      %dma_start3A_47 = tpu.memref_slice %arg4[%mul3A_46] : memref<262144xf32, #tpu.memory_space<hbm>> -> memref<8192xf32, #tpu.memory_space<hbm>>
      %dma_start3A_48 = tpu.memref_slice %arg4[%mul3A_46] : memref<262144xf32, #tpu.memory_space<hbm>> -> memref<8192xf32, #tpu.memory_space<hbm>>
      tpu.enqueue_dma source(%arg9 : memref<8192xf32, #tpu.memory_space<vmem>>) target(%dma_start3A_48 : memref<8192xf32, #tpu.memory_space<hbm>>) target_semaphore(%run_scoped3A : memref<!tpu.dma_semaphore, #tpu.memory_space<semaphore_mem>>)
      %dma_wait3A = tpu.memref_slice %arg4[%mul3A_46] : memref<262144xf32, #tpu.memory_space<hbm>> -> memref<8192xf32, #tpu.memory_space<hbm>>
      %dma_wait3A_49 = tpu.memref_slice %arg4[%mul3A_46] : memref<262144xf32, #tpu.memory_space<hbm>> -> memref<8192xf32, #tpu.memory_space<hbm>>
      tpu.wait_dma2 semaphore(%run_scoped3A : memref<!tpu.dma_semaphore, #tpu.memory_space<semaphore_mem>>) src(%arg9 : memref<8192xf32, #tpu.memory_space<vmem>>) dst(%dma_wait3A_49 : memref<8192xf32, #tpu.memory_space<hbm>>)
      tpu.yield
    }) : () -> ()
    return
  }
}

module attributes {stable_mosaic.version = 14 : i64} {
  func.func @_tc_transpose_body(%arg0: i32, %arg1: memref<64x4096xf32, #tpu.memory_space<vmem>>, %arg2: memref<4096x128xf32, #tpu.memory_space<vmem>>) attributes {dimension_semantics = [#tpu.dimension_semantics<arbitrary>], iteration_bounds = array<i64: 245>, scalar_prefetch = 0 : i64, scratch_operands = 0 : i64, tpu.core_type = #tpu.core_type<tc>, window_params = [{transform_indices = @transform_0, window_bounds = array<i64: 64, 4096>}, {transform_indices = @transform_1, window_bounds = array<i64: 4096, 128>}]} {
    %get3A = arith.constant 0 : index
    %get3A_0 = arith.constant 0 : index
    %get3A_1 = vector.load %arg1[%get3A, %get3A_0] : memref<64x4096xf32, #tpu.memory_space<vmem>>, vector<64x4096xf32>
    %iota3A = tpu.iota {dimensions = array<i32: 0>} : vector<64x128xi32>
    %iota3A_2 = tpu.iota {dimensions = array<i32: 1>} : vector<64x128xi32>
    %eq3A = arith.cmpi eq, %iota3A, %iota3A_2 : vector<64x128xi32>
    %convert_element_type3A = arith.extui %eq3A : vector<64x128xi1> to vector<64x128xi32>
    %convert_element_type3A_3 = arith.sitofp %convert_element_type3A : vector<64x128xi32> to vector<64x128xf32>
    %dot_general3A = arith.constant dense<0.000000e+00> : vector<4096x128xf32>
    %dot_general3A_4 = tpu.matmul %get3A_1, %convert_element_type3A_3, %dot_general3A {dimension_numbers = #tpu.dot_dimension_numbers<[0], [0], [1], [1], [0, 1, 1, 1], [], []>, transpose_lhs_hint = false} : vector<64x4096xf32>, vector<64x128xf32>, vector<4096x128xf32> -> vector<4096x128xf32>
    %swap3A = arith.constant 0 : index
    %swap3A_5 = arith.constant 0 : index
    %swap3A_6 = vector.load %arg2[%swap3A, %swap3A_5] : memref<4096x128xf32, #tpu.memory_space<vmem>>, vector<4096x128xf32>
    tpu.vector_store %arg2[%swap3A, %swap3A_5], %dot_general3A_4 {strides = array<i32>} : memref<4096x128xf32, #tpu.memory_space<vmem>>, vector<4096x128xf32>,
    return
  }
  func.func @transform_0(%arg0: i32) -> (i32, i32) {
    %c0_i32 = arith.constant 0 : i32
    %c0_i32_0 = arith.constant 0 : i32
    return %c0_i32, %arg0 : i32, i32
  }
  func.func @transform_1(%arg0: i32) -> (i32, i32) {
    %c0_i32 = arith.constant 0 : i32
    %c0_i32_0 = arith.constant 0 : i32
    return %arg0, %c0_i32 : i32, i32
  }
}

module attributes {stable_mosaic.version = 14 : i64} {
  func.func @_tc_head_body(%arg0: memref<4096x50xi32, #tpu.memory_space<vmem>>, %arg1: memref<4096x64xf32, #tpu.memory_space<vmem>>, %arg2: memref<2x64xf32, #tpu.memory_space<vmem>>, %arg3: memref<64x100xf32, #tpu.memory_space<vmem>>, %arg4: memref<1x100xf32, #tpu.memory_space<vmem>>, %arg5: memref<4096x100xf32, #tpu.memory_space<vmem>>) attributes {dimension_semantics = [], scalar_prefetch = 0 : i64, scratch_operands = 0 : i64, tpu.core_type = #tpu.core_type<tc>} {
    %get3A = arith.constant 0 : index
    %get3A_0 = arith.constant 0 : index
    %get3A_1 = vector.load %arg0[%get3A, %get3A_0] : memref<4096x50xi32, #tpu.memory_space<vmem>>, vector<4096x50xi32>
    %eq3A = arith.constant 0 : i32
    %eq3A_2 = vector.broadcast %eq3A : i32 to vector<4096x50xi32>
    %eq3A_3 = arith.cmpi eq, %get3A_1, %eq3A_2 : vector<4096x50xi32>
    %convert_element_type3A = arith.extui %eq3A_3 : vector<4096x50xi1> to vector<4096x50xi32>
    %convert_element_type3A_4 = arith.sitofp %convert_element_type3A : vector<4096x50xi32> to vector<4096x50xf32>
    %reduce_sum3A = arith.constant dense<0.000000e+00> : vector<4096xf32>
    %reduce_sum3A_5 = vector.multi_reduction <add>, %convert_element_type3A_4, %reduce_sum3A [1] : vector<4096x50xf32> to vector<4096xf32>
    %broadcast_in_dim3A = vector.shape_cast %reduce_sum3A_5 : vector<4096xf32> to vector<4096x1xf32>
    %eq3A_6 = arith.constant 1 : i32
    %eq3A_7 = vector.broadcast %eq3A_6 : i32 to vector<4096x50xi32>
    %eq3A_8 = arith.cmpi eq, %get3A_1, %eq3A_7 : vector<4096x50xi32>
    %convert_element_type3A_9 = arith.extui %eq3A_8 : vector<4096x50xi1> to vector<4096x50xi32>
    %convert_element_type3A_10 = arith.sitofp %convert_element_type3A_9 : vector<4096x50xi32> to vector<4096x50xf32>
    %reduce_sum3A_11 = arith.constant dense<0.000000e+00> : vector<4096xf32>
    %reduce_sum3A_12 = vector.multi_reduction <add>, %convert_element_type3A_10, %reduce_sum3A_11 [1] : vector<4096x50xf32> to vector<4096xf32>
    %broadcast_in_dim3A_13 = vector.shape_cast %reduce_sum3A_12 : vector<4096xf32> to vector<4096x1xf32>
    %get3A_14 = arith.constant 0 : index
    %get3A_15 = arith.constant 0 : index
    %get3A_16 = vector.load %arg1[%get3A_14, %get3A_15] : memref<4096x64xf32, #tpu.memory_space<vmem>>, vector<4096x64xf32>
    %get3A_17 = arith.constant 0 : index
    %get3A_18 = arith.constant 0 : index
    %get3A_19 = vector.load %arg2[%get3A_17, %get3A_18] : memref<2x64xf32, #tpu.memory_space<vmem>>, vector<1x64xf32>
    %mul3A = vector.broadcast %broadcast_in_dim3A : vector<4096x1xf32> to vector<4096x64xf32>
    %mul3A_20 = vector.broadcast %get3A_19 : vector<1x64xf32> to vector<4096x64xf32>
    %mul3A_21 = arith.mulf %mul3A, %mul3A_20 : vector<4096x64xf32>
    %sub3A = arith.subf %get3A_16, %mul3A_21 : vector<4096x64xf32>
    %get3A_22 = arith.constant 1 : index
    %get3A_23 = arith.constant 0 : index
    %get3A_24 = vector.load %arg2[%get3A_22, %get3A_23] : memref<2x64xf32, #tpu.memory_space<vmem>>, vector<1x64xf32>
    %mul3A_25 = vector.broadcast %broadcast_in_dim3A_13 : vector<4096x1xf32> to vector<4096x64xf32>
    %mul3A_26 = vector.broadcast %get3A_24 : vector<1x64xf32> to vector<4096x64xf32>
    %mul3A_27 = arith.mulf %mul3A_25, %mul3A_26 : vector<4096x64xf32>
    %sub3A_28 = arith.subf %sub3A, %mul3A_27 : vector<4096x64xf32>
    %sub3A_29 = arith.constant 5.000000e+01 : f32
    %sub3A_30 = vector.broadcast %sub3A_29 : f32 to vector<4096x1xf32>
    %sub3A_31 = arith.subf %sub3A_30, %broadcast_in_dim3A : vector<4096x1xf32>
    %sub3A_32 = arith.subf %sub3A_31, %broadcast_in_dim3A_13 : vector<4096x1xf32>
    %div3A = vector.broadcast %sub3A_32 : vector<4096x1xf32> to vector<4096x64xf32>
    %div3A_33 = arith.divf %sub3A_28, %div3A : vector<4096x64xf32>
    %get3A_34 = arith.constant 0 : index
    %get3A_35 = arith.constant 0 : index
    %get3A_36 = vector.load %arg3[%get3A_34, %get3A_35] : memref<64x100xf32, #tpu.memory_space<vmem>>, vector<64x100xf32>
    %dot_general3A = arith.constant dense<0.000000e+00> : vector<4096x100xf32>
    %dot_general3A_37 = tpu.matmul %div3A_33, %get3A_36, %dot_general3A {dimension_numbers = #tpu.dot_dimension_numbers<[1], [0], [0], [1], [0, 0, 1, 1], [], []>, transpose_lhs_hint = false} : vector<4096x64xf32>, vector<64x100xf32>, vector<4096x100xf32> -> vector<4096x100xf32>
    %get3A_38 = arith.constant 0 : index
    %get3A_39 = arith.constant 0 : index
    %get3A_40 = vector.load %arg4[%get3A_38, %get3A_39] : memref<1x100xf32, #tpu.memory_space<vmem>>, vector<1x100xf32>
    %add3A = vector.broadcast %get3A_40 : vector<1x100xf32> to vector<4096x100xf32>
    %add3A_41 = arith.addf %dot_general3A_37, %add3A : vector<4096x100xf32>
    %swap3A = arith.constant 0 : index
    %swap3A_42 = arith.constant 0 : index
    %swap3A_43 = vector.load %arg5[%swap3A, %swap3A_42] : memref<4096x100xf32, #tpu.memory_space<vmem>>, vector<4096x100xf32>
    tpu.vector_store %arg5[%swap3A, %swap3A_42], %add3A_41 {strides = array<i32>} : memref<4096x100xf32, #tpu.memory_space<vmem>>, vector<4096x100xf32>,
    return
  }
}

</mosaic_0001>

<sc_bundles>
// kernel: kernel.5.cloned.1.call-start
scs
__scs_entry_jumppad:
0x0: {  	(pc) =	sbr.rel $0x88, $3  }
0x1: {  	(tag) =	ssettag $0x0;
	lr =	simm.s32 $0x1  }
0x2: {  	[smem:$0x3F9D] =	sst lr;
	_ =	strace $0xD0000000  }
0x3: {  	_ = 	snop  }
0x4: {  	_ = 	snop  }
0x5: {  	_ = 	snop  }
0x6: {  	_ = 	snop  }
0x7: {  	_ = 	snop  }
__scs_overlays_trampoline_lowered:
0x8: {  	[smem:$0x3FAC] =	sst s0  }
0x9: {  	[smem:$0x3FAD] =	sst s1  }
0xa: {  	[smem:$0x3FAE] =	sst s2  }
0xb: {  	[smem:$0x3FAF] =	sst s3  }
0xc: {  	[smem:$0x3FB0] =	sst s4  }
0xd: {  	[smem:$0x3FB1] =	sst s5  }
0xe: {  	[smem:$0x3FB2] =	sst s6  }
0xf: {  	[smem:$0x3FB3] =	sst s7  }
0x10: {  	[smem:$0x3FB4] =	sst s8  }
0x11: {  	[smem:$0x3FB5] =	sst s9;
	s0 =	simm.s32 @!p0 $0x0  }
0x12: {  	s1 =	sld [smem:$0x3F9B];
	s0 =	simm.s32 @p0 $0x1  }
0x13: {  	[smem:$0x3FB6] =	sst s0;
	s0 =	simm.s32 @!p1 $0x0  }
0x14: {  	s2 =	sld [smem:$0x3F9A];
	s0 =	simm.s32 @p1 $0x1  }
0x15: {  	[smem:$0x3FB7] =	sst s0;
	s0 =	simm.s32 @!p2 $0x0  }
0x16: {  	s3 =	sld [smem:$0x3FDB];
	s0 =	simm.s32 @p2 $0x1  }
0x17: {  	s4 =	simm.s32 $0x1BF5;
	[smem:$0x3FB9] =	sst s0  }
0x18: {  	s0 =	sld [smem:$0x3F9C];
	_ =	swait.ge [sflag:s4], $0x0  }
0x19: {  	s7 =	sld [smem:$0x3F9D]  }
0x1a: {  	s8 =	sadd.s32 $0xFFFFE003, lr  }
0x1b: {  	s9 =	sadd.s32 $0xFFFFFEF7, lr;
	s5 =	simm.s32 $0xFFFFFFFF;
	p2 =	slt.u32 s8, $0xFFFFF086  }
0x1c: {  	p1 =	slt.u32 s9, $0xF7A;
	s5 =	simm.s32 @!p2 $0x0  }
0x1d: {  	s5 =	simm.s32 @p1 $0x1;
	p0 =	seq.s32 s7, s2  }
0x1e: {  	s7 =	smul.u32 @!p0 $0xF7A, s2;
	p2 =	seq.s32 @!p0 s5, $0x0  }
0x1f: {  	s9 =	smul.u32 $0xF7A, s1;
	s8 =	simm.s32 @!p0 $0x1BF5;
	p2 =	por !p2, p0  }
0x20: {  	[sflag:s8] =	ssyncset.s32 @!p0 $0xFFFFF086;
	s6 =	sadd.s32 @!p0 s3, s7;
	s7 =	simm.s32 @!p0 $0x108  }
0x21: {  	s3 =	sadd.s32 s3, s9;
	s6 =	sadd.s32 @!p0 $0x88, s6;
	s7 =	simm.s32 @p2 $0x1082  }
0x22: {  	[simem:s7], [sflag:s8] =	dma.local @!p0 [hbm:s6], $0xF7A  }
0x23: {  	s9 =	sor.u32 $0xD0000000, s2;
	s6 =	simm.s32 $0x108;
	_ =	swait.ge @!p0 [sflag:s8], $0x0  }
0x24: {  	s3 =	sadd.s32 $0x88, s3;
	s6 =	simm.s32 @!p1 $0x1082;
	[sflag:s4] =	ssyncset.s32 $0xFFFFF086  }
0x25: {  	[simem:s6], [sflag:s4] =	dma.local [hbm:s3], $0xF7A  }
0x26: {  	[smem:$0x3F9D] =	sst s1;
	(tag) =	ssettag s2;
	_ =	strace s9  }
0x27: {  	s1 =	sld [smem:$0x3FAD]  }
0x28: {  	s2 =	sld [smem:$0x3FAE]  }
0x29: {  	s4 =	sld [smem:$0x3FB0]  }
0x2a: {  	p0 =	seq.s32 s5, $0x0;
	s5 =	sld [smem:$0x3FB1]  }
0x2b: {  	s6 =	sld [smem:$0x3FB2]  }
0x2c: {  	s7 =	sld [smem:$0x3FB3]  }
0x2d: {  	s3 =	simm.s32 $0x108;
	s8 =	sld [smem:$0x3FB4]  }
0x2e: {  	s3 =	simm.s32 @!p0 $0x1082;
	s9 =	sld [smem:$0x3FB5]  }
0x2f: {  	lr =	sadd.s32 s0, s3;
	s0 =	sld [smem:$0x3FAC]  }
0x30: {  	s3 =	sld [smem:$0x3FAF]  }
0x31: {  	[smem:$0x3FB8] =	sst s10  }
0x32: {  	s10 =	sld [smem:$0x3FB6];
	_ =	sdelay $0x3  }
0x33: {  	p0 =	seq.s32 s10, $0x1;
	s10 =	sld [smem:$0x3FB8];
	_ =	sdelay $0x3  }
0x34: {  	[smem:$0x3FB8] =	sst s10  }
0x35: {  	s10 =	sld [smem:$0x3FB7];
	_ =	sdelay $0x3  }
0x36: {  	p1 =	seq.s32 s10, $0x1;
	s10 =	sld [smem:$0x3FB8];
	_ =	sdelay $0x3  }
0x37: {  	[smem:$0x3FB8] =	sst s10  }
0x38: {  	s10 =	sld [smem:$0x3FB9]  }
0x39: {  	_ = 	snop;
	(pc) =	sbr.ind lr, $3  }
0x3a: {  	_ = 	snop  }
0x3b: {  	_ = 	snop  }
0x3c: {  	p2 =	seq.s32 s10, $0x1;
	s10 =	sld [smem:$0x3FB8]  }
0x3d: {  	_ =	shalt  }
0x3e: {  	_ =	shalt  }
0x3f: {  	_ =	shalt  }
0x40: {  	_ =	shalt  }
0x41: {  	_ =	shalt  }
0x42: {  	_ =	shalt  }
0x43: {  	_ =	shalt  }
0x44: {  	_ =	shalt  }
0x45: {  	_ =	shalt  }
0x46: {  	_ =	shalt  }
0x47: {  	_ =	shalt  }
0x48: {  	_ =	shalt  }
0x49: {  	_ =	shalt  }
0x4a: {  	_ =	shalt  }
0x4b: {  	_ =	shalt  }
0x4c: {  	_ =	shalt  }
0x4d: {  	_ =	shalt  }
0x4e: {  	_ =	shalt  }
0x4f: {  	_ =	shalt  }
0x50: {  	_ =	shalt  }
0x51: {  	_ =	shalt  }
0x52: {  	_ =	shalt  }
0x53: {  	_ =	shalt  }
0x54: {  	_ =	shalt  }
0x55: {  	_ =	shalt  }
0x56: {  	_ =	shalt  }
0x57: {  	_ =	shalt  }
0x58: {  	_ =	shalt  }
0x59: {  	_ =	shalt  }
0x5a: {  	_ =	shalt  }
0x5b: {  	_ =	shalt  }
0x5c: {  	_ =	shalt  }
0x5d: {  	_ =	shalt  }
0x5e: {  	_ =	shalt  }
0x5f: {  	_ =	shalt  }
0x60: {  	_ =	shalt  }
0x61: {  	_ =	shalt  }
0x62: {  	_ =	shalt  }
0x63: {  	_ =	shalt  }
0x64: {  	_ =	shalt  }
0x65: {  	_ =	shalt  }
0x66: {  	_ =	shalt  }
0x67: {  	_ =	shalt  }
0x68: {  	_ =	shalt  }
0x69: {  	_ =	shalt  }
0x6a: {  	_ =	shalt  }
0x6b: {  	_ =	shalt  }
0x6c: {  	_ =	shalt  }
0x6d: {  	_ =	shalt  }
0x6e: {  	_ =	shalt  }
0x6f: {  	_ =	shalt  }
0x70: {  	_ =	shalt  }
0x71: {  	_ =	shalt  }
0x72: {  	_ =	shalt  }
0x73: {  	_ =	shalt  }
0x74: {  	_ =	shalt  }
0x75: {  	_ =	shalt  }
0x76: {  	_ =	shalt  }
0x77: {  	_ =	shalt  }
0x78: {  	_ =	shalt  }
0x79: {  	_ =	shalt  }
0x7a: {  	_ =	shalt  }
0x7b: {  	_ =	shalt  }
0x7c: {  	_ =	shalt  }
0x7d: {  	_ =	shalt  }
0x7e: {  	_ =	shalt  }
0x7f: {  	_ =	shalt  }
0x80: {  	_ =	shalt  }
0x81: {  	_ =	shalt  }
0x82: {  	_ =	shalt  }
0x83: {  	_ =	shalt  }
0x84: {  	_ =	shalt  }
0x85: {  	_ =	shalt  }
0x86: {  	_ =	shalt  }
0x87: {  	_ =	shalt  }
.Lfunc_end0:
.L_simem_size_0:
called_computation_lowered:
.L_overlay_start_0:
0x88: {  	s2 =	sld [smem:$0x3FD9]  }
0x89: {  	s3 =	sld [smem:$0x3FFE];
	_ =	sdelay $0x1  }
0x8a: {  	s1 =	srdreg.scid  }
0x8b: {  	s0 =	sand.u32 $0x1, s1  }
0x8c: {  	s17 =	sshll.u32 s0, $0xA;
	s2 =	sadd.s32 s3, s2  }
0x8d: {  	s2 =	sadd.s32 s2, s17  }
0x8e: {  	[smem:$0x3FC4] =	sst s2  }
0x8f: {  	_ = 	snop  }
0x90: {  	s2 =	sld [smem:$0x3FD0];
	(tm) =	ssettm $0x1  }
0x91: {  	s18 =	sld [smem:$0x3FFB];
	_ =	sdelay $0x3  }
0x92: {  	_ =	strace s18  }
0x93: {  	s3 =	sld [smem:$0x3FFC];
	_ =	sdelay $0x3  }
0x94: {  	_ =	strace s3  }
0x95: {  	s3 =	sld [smem:$0x3FFD];
	_ =	sdelay $0x3  }
0x96: {  	_ =	strace s3  }
0x97: {  	_ =	strace $0x8FFFFFFF  }
0x98: {  	s19 =	sld [smem:$0x3FDB];
	_ =	sdelay $0x1  }
0x99: {  	s4 =	simm.s32 $_scs_section_size  }
0x9a: {  	s5 =	simm.s32 $_size__tile_overlayer_lowered;
	s6 =	simm.s32 $_tile_overlayer_lowered  }
0x9b: {  	s22 =	simm.s32 $0x1BFF;
	s21 =	sshll.u32 s6, $0x1;
	s3 =	sadd.s32 s4, s19  }
0x9c: {  	s7 =	simm.s32 $0x0;
	s20 =	sshll.u32 s5, $0x1;
	s5 =	sadd.s32 s21, s3  }
0x9d: {  	[timem:s7], [sflag:s22] =	dma.local [hbm:s5], s20  }
0x9e: {  	_ =	swait.ge [sflag:s22], s20  }
0x9f: {  	s4 =	ssub.s32 $0x0, s20;
	[sflag:s22] =	ssyncset.done $0x0  }
0xa0: {  	[sflag:s22] =	ssyncadd.s32 s4;
	_ =	sdelay $0x1  }
0xa1: {  	s23 =	simm.s32 $0x1B8B  }
0xa2: {  	_ =	swait.ge [sflag:s23], $0x1  }
0xa3: {  	[sflag:s23] =	ssyncset.done $0x0  }
0xa4: {  	s25 =	simm.s32 $0x1B8E;
	s24 =	sld [smem:$0x3FFE];
	[sflag:s23] =	ssyncadd.s32 $0xFFFFFFFF  }
0xa5: {  	s26 =	simm.s32 $execute0_lowered;
	[smem:$0x3FD2] =	sst s25  }
0xa6: {  	s5 =	sshll.u32 s26, $0x1;
	_ =	strace $0x80000046;
	[dreg:$0x1] =	wrdreg $0xFFFFFFFF  }
0xa7: {  	s28 =	simm.s32 $_size_execute0_lowered;
	s3 =	sadd.s32 s3, s5;
	[dreg:$0x0] =	wrdreg $0x0  }
0xa8: {  	s5 =	sshll.u32 s28, $0x1;
	[dreg:$0x2] =	wrdreg s3  }
0xa9: {  	[dreg:$0x3] =	wrdreg s5  }
0xaa: {  	[dreg:$0x4] =	wrdreg $0xC0  }
0xab: {  	_ =	task [dreg:s7], $0x5FFFF  }
0xac: {  	[dreg:$0x1] =	wrdreg $0xFFFFFFFF  }
0xad: {  	[dreg:$0x0] =	wrdreg $0x60  }
0xae: {  	[dreg:$0x2] =	wrdreg s24  }
0xaf: {  	[dreg:$0x3] =	wrdreg s2  }
0xb0: {  	[dreg:$0x4] =	wrdreg $0x9  }
0xb1: {  	_ =	task.clear_ibuf [dreg:s7], $0x5FFFF;
	_ =	strace $0x90000046  }
0xb2: {  	s29 =	simm.s32 $0x9;
	_ =	strace $0x80000048  }
0xb3: {  	_ =	swait.ge [sflag:s29], $0x1  }
0xb4: {  	[sflag:s29] =	ssyncadd.s32 $0xFFFFFFFF  }
0xb5: {  	_ =	strace $0x90000048  }
0xb6: {  	_ =	sfence  }
0xb7: {  	s30 =	sld [smem:$0x0];
	_ =	sdelay $0x2  }
0xb8: {  	s31 =	sshll.u32 s1, $0xD;
	s1 =	sshrl.u32 s1, $0x2  }
0xb9: {  	s3 =	sand.u32 $0x4000, s31;
	s1 =	sadd.s32 s1, s30  }
0xba: {  	s0 =	sor.u32 s3, s0;
	s1 =	sshll.u32 s1, $0x11  }
0xbb: {  	s0 =	sor.u32 s1, s0  }
0xbc: {  	s0 =	sadd.s32 $0x8F2B, s0  }
0xbd: {  	[sflag:s0] =	ssyncadd.remote.s32 $0x1  }
0xbe: {  	_ =	sfence.sel $0xFFFF  }
0xbf: {  	[dreg:$0x0] =	wrdreg $0xFFFFFFFF;
	(pc) =	sbr.abs _section_cstart, $3  }
0xc0: {  	[dreg:$0x1] =	wrdreg $0xFFFFFFFF  }
0xc1: {  	_ =	task.clear_ibuf [dreg:s7], $0x2FFFF;
	_ =	strace $0x9FFFFFFF  }
0xc2: {  	(tm) =	ssettm $0x7FFFFFFF  }
0xc3: {  	_ =	shalt  }
tec
execute0_lowered:
.L_overlay_start_1:
0x0: {  	(tag) =	ssettag $0x1  }
0x1: {  	s1 =	rddreg [dreg:$0x0];
	s2 =	srdreg.scid  }
0x2: {  	s0 =	stileid.u32;
	s5 =	rddreg [dreg:$0x1];
	s9 =	simm.s32 $0x4000  }
0x3: {  	s10 =	simm.s32 $0x6000;
	s11 =	simm.s32 $0x4040;
	s12 =	simm.s32 $0x7C00  }
0x4: {  	s13 =	simm.s32 $0x4080;
	s14 =	simm.s32 $0x9800;
	s15 =	simm.s32 $0x40C0  }
0x5: {  	s16 =	simm.s32 $0xB400;
	s17 =	simm.s32 $0xD000;
	s18 =	simm.s32 $0xEC00  }
0x6: {  	s19 =	simm.s32 $0x10800;
	s20 =	simm.s32 $0x12400;
	s21 =	simm.s32 $0x1  }
0x7: {  	s22 =	simm.s32 $0x2;
	s23 =	simm.s32 $0x14000;
	s24 =	simm.s32 $0x0  }
0x8: {  	s3 =	sand.u32 $0x1, s2;
	s4 =	sshll.u32 s0, $0x1;
	s2 =	simm.s32 $0x0  }
0x9: {  	s4 =	sor.u32 s3, s4;
	[smem:$0x7FF] =	sst s2;
	s7 =	ssub.s32 $0x2, s3  }
0xa: {  	s3 =	sadd.s32 $0xE00, s1;
	s6 =	sshll.u32 s4, $0xB;
	_ =	strace $0x80000047  }
0xb: {  	s8 =	sshrl.u32 s7, $0x1;
	s31 =	sshll.u32 s4, $0xA;
	s6 =	sadd.s32 s6, s1  }
0xc: {  	s30 =	ssub.s32 s7, s8;
	s5 =	sadd.s32 s5, s31;
	s7 =	simm.s32 $0x3  }
0xd: {  	s8 =	simm.s32 $0x32;
	s4 =	sadd.s32 $0xF53200, s6;
	s6 =	smax.u32 s30, $0x1  }
.LBB2_1:
0xe: {  	[tilespmem:s2], [sflag:$0x3] =	stream.linear.gather [hbm4b:s4+s2], $0x4000, $0x38;
	[tilespmem:$0x16000] =	vst v63  }
0xf: {  	_ =	swait.ge [sflag:s7], $0x4000  }
0x10: {  	[sflag:s7] =	ssyncset.done $0x0  }
0x11: {  	s25 =	simm.s32 $0x20;
	[sflag:s7] =	ssyncadd.s32 $0xFFFFC000  }
0x12: {  	s26 =	simm.s32 $0x100;
	s28 =	simm.s32 $0x0;
	v0 =	vld [tilespmem:s25+$0xFFFFFFE0]  }
.LBB2_2:
0x13: {  	p0 =	sne.s32 s26, $0x7F00;
	_ =	sdelay $0x2  }
0x14: {  	s1 =	sshra.s32 s28, $0x2;
	s28 =	smov.u32 s26  }
0x15: {  	[tilespmem:s1+$0x4000] =	vst v0  }
0x16: {  	v0 =	vld [tilespmem:s25+$0xFFFFFFF0];
	_ =	sdelay $0x4  }
0x17: {  	[tilespmem:s1+$0x4010] =	vst v0  }
0x18: {  	v0 =	vld [tilespmem:s25+$0x0];
	_ =	sdelay $0x4  }
0x19: {  	[tilespmem:s1+$0x4020] =	vst v0  }
0x1a: {  	v0 =	vld [tilespmem:s25+$0x10];
	_ =	sdelay $0x1  }
.Ltmp0:
0x1b: {  	(pc) =	sbr.rel @p0 .LBB2_2-.Ltmp0, $3  }
0x1c: {  	_ =	sdelay $0x1  }
0x1d: {  	s25 =	sadd.s32 $0x80, s25;
	[tilespmem:s1+$0x4030] =	vst v0  }
0x1e: {  	s26 =	sadd.s32 $0x100, s26;
	v0 =	vld [tilespmem:s25+$0xFFFFFFE0]  }
0x1f: {  	_ =	sdelay $0x2  }
0x20: {  	s1 =	sshra.s32 s28, $0x2  }
0x21: {  	[tilespmem:s1+$0x4000] =	vst v0  }
0x22: {  	v0 =	vld [tilespmem:s25+$0xFFFFFFF0];
	_ =	sdelay $0x4  }
0x23: {  	[tilespmem:s1+$0x4010] =	vst v0  }
0x24: {  	v0 =	vld [tilespmem:s25+$0x0];
	_ =	sdelay $0x4  }
0x25: {  	[tilespmem:s1+$0x4020] =	vst v0  }
0x26: {  	v0 =	vld [tilespmem:s25+$0x10];
	_ =	sdelay $0x4  }
0x27: {  	[tilespmem:s1+$0x4030] =	vst v0  }
0x28: {  	[tilespmem:s10], [sflag:$0x1] =	stream.indirect.gather [hbm4b:s3+s8], $0x80, s9, s8, $0xb8;
	[tilespmem:$0x16000] =	vst v63  }
0x29: {  	_ = 	snop  }
0x2a: {  	[tilespmem:s12], [sflag:$0x1] =	stream.indirect.gather [hbm4b:s3+s8], $0x80, s11, s8, $0xb8;
	[tilespmem:$0x16000] =	vst v63  }
0x2b: {  	_ = 	snop  }
0x2c: {  	[tilespmem:s14], [sflag:$0x1] =	stream.indirect.gather [hbm4b:s3+s8], $0x80, s13, s8, $0xb8;
	[tilespmem:$0x16000] =	vst v63  }
0x2d: {  	s25 =	simm.s32 $0x0  }
0x2e: {  	[tilespmem:s16], [sflag:$0x1] =	stream.indirect.gather [hbm4b:s3+s8], $0x80, s15, s8, $0xb8;
	[tilespmem:$0x16000] =	vst v63  }
.LBB2_4:
0x2f: {  	s1 =	sshll.u32 s25, $0x9  }
0x30: {  	s26 =	sadd.s32 $0x4100, s1  }
0x31: {  	[tilespmem:s17], [sflag:$0x2] =	stream.indirect.gather [hbm4b:s3+s8], $0x80, s26, s8, $0xb8;
	[tilespmem:$0x16000] =	vst v63  }
0x32: {  	s31 =	sadd.s32 $0x4140, s1  }
0x33: {  	[tilespmem:s18], [sflag:$0x2] =	stream.indirect.gather [hbm4b:s3+s8], $0x80, s31, s8, $0xb8;
	[tilespmem:$0x16000] =	vst v63  }
0x34: {  	s31 =	sadd.s32 $0x4180, s1  }
0x35: {  	[tilespmem:s19], [sflag:$0x2] =	stream.indirect.gather [hbm4b:s3+s8], $0x80, s31, s8, $0xb8;
	[tilespmem:$0x16000] =	vst v63  }
0x36: {  	s31 =	sadd.s32 $0x41C0, s1  }
0x37: {  	[tilespmem:s20], [sflag:$0x2] =	stream.indirect.gather [hbm4b:s3+s8], $0x80, s31, s8, $0xb8;
	[tilespmem:$0x16000] =	vst v63  }
0x38: {  	_ =	swait.ge [sflag:s21], $0x6400  }
0x39: {  	[sflag:s21] =	ssyncset.done $0x0  }
0x3a: {  	s29 =	simm.s32 $0x0;
	[sflag:s21] =	ssyncadd.s32 $0xFFFF9C00  }
0x3b: {  	v1 =	vld [tilespmem:s29+$0x6080]  }
0x3c: {  	v0 =	vld [tilespmem:s29+$0x6090]  }
0x3d: {  	v2 =	vld [tilespmem:s29+$0x6000]  }
0x3e: {  	v4 =	vimm.f32 $0.0e+00;
	v3 =	vld [tilespmem:s29+$0x6010]  }
0x3f: {  	s30 =	simm.s32 $0x400;
	v7 =	vimm.f32 $0.0e+00;
	v8 =	vimm.f32 $0.0e+00;
	v6 =	vimm.f32 $0.0e+00;
	s28 =	sor.u32 $0x180, s1;
	s26 =	sor.u32 $0x100, s1;
	v5 =	vld [tilespmem:s29+$0x6020]  }
.LBB2_5:
0x40: {  	p0 =	sne.s32 s30, $0x6000;
	v9 =	vld [tilespmem:s29+$0x6030];
	v10 =	vmov v1  }
0x41: {  	v11 =	vld [tilespmem:s29+$0x60A0];
	v12 =	vmov v0  }
0x42: {  	v13 =	vld [tilespmem:s29+$0x60B0];
	s29 =	sshra.s32 s30, $0x2  }
.Ltmp1:
0x43: {  	v1 =	vld [tilespmem:s29+$0x6080];
	(pc) =	sbr.rel @p0 .LBB2_5-.Ltmp1, $4  }
0x44: {  	v4 =	vadd.f32 v2, v4;
	v7 =	vadd.f32 v3, v7;
	v0 =	vld [tilespmem:s29+$0x6090]  }
0x45: {  	v8 =	vadd.f32 v5, v8;
	v2 =	vld [tilespmem:s29+$0x6000];
	v6 =	vadd.f32 v9, v6  }
0x46: {  	v4 =	vadd.f32 v10, v4;
	v7 =	vadd.f32 v12, v7;
	v3 =	vld [tilespmem:s29+$0x6010]  }
0x47: {  	s30 =	sadd.s32 $0x400, s30;
	v8 =	vadd.f32 v11, v8;
	v5 =	vld [tilespmem:s29+$0x6020];
	v6 =	vadd.f32 v13, v6  }
0x48: {  	v9 =	vld [tilespmem:s29+$0x6030]  }
0x49: {  	v10 =	vld [tilespmem:s29+$0x60A0]  }
0x4a: {  	v11 =	vld [tilespmem:s29+$0x60B0];
	v2 =	vadd.f32 v2, v4  }
0x4b: {  	v3 =	vadd.f32 v3, v7  }
0x4c: {  	s29 =	sshll.u32 s25, $0xB;
	v4 =	vadd.f32 v5, v8;
	v1 =	vadd.f32 v1, v2  }
0x4d: {  	s30 =	sshrl.u32 s29, $0x2;
	v2 =	vadd.f32 v9, v6;
	v0 =	vadd.f32 v0, v3  }
0x4e: {  	v3 =	vadd.f32 v10, v4;
	[tilespmem:s30+$0x14000] =	vst v1  }
0x4f: {  	v1 =	vadd.f32 v11, v2;
	[tilespmem:s30+$0x14010] =	vst v0  }
0x50: {  	[tilespmem:s30+$0x14020] =	vst v3  }
0x51: {  	s31 =	simm.s32 $0x0;
	[tilespmem:s30+$0x14030] =	vst v1  }
0x52: {  	v1 =	vld [tilespmem:s31+$0x7C80]  }
0x53: {  	v0 =	vld [tilespmem:s31+$0x7C90]  }
0x54: {  	v2 =	vld [tilespmem:s31+$0x7C00]  }
0x55: {  	v7 =	vimm.f32 $0.0e+00;
	v3 =	vld [tilespmem:s31+$0x7C10]  }
0x56: {  	s1 =	simm.s32 $0x400;
	v5 =	vimm.f32 $0.0e+00;
	v8 =	vimm.f32 $0.0e+00;
	v6 =	vimm.f32 $0.0e+00;
	v4 =	vld [tilespmem:s31+$0x7C20]  }
.LBB2_7:
0x57: {  	p0 =	sne.s32 s1, $0x6000;
	v9 =	vld [tilespmem:s31+$0x7C30];
	v10 =	vmov v1  }
0x58: {  	v11 =	vld [tilespmem:s31+$0x7CA0];
	v12 =	vmov v0  }
0x59: {  	v13 =	vld [tilespmem:s31+$0x7CB0];
	s31 =	sshra.s32 s1, $0x2  }
.Ltmp2:
0x5a: {  	v1 =	vld [tilespmem:s31+$0x7C80];
	(pc) =	sbr.rel @p0 .LBB2_7-.Ltmp2, $4  }
0x5b: {  	v5 =	vadd.f32 v2, v5;
	v6 =	vadd.f32 v3, v6;
	v0 =	vld [tilespmem:s31+$0x7C90]  }
0x5c: {  	v8 =	vadd.f32 v4, v8;
	v2 =	vld [tilespmem:s31+$0x7C00];
	v7 =	vadd.f32 v9, v7  }
0x5d: {  	v5 =	vadd.f32 v10, v5;
	v6 =	vadd.f32 v12, v6;
	v3 =	vld [tilespmem:s31+$0x7C10]  }
0x5e: {  	s1 =	sadd.s32 $0x400, s1;
	v8 =	vadd.f32 v11, v8;
	v4 =	vld [tilespmem:s31+$0x7C20];
	v7 =	vadd.f32 v13, v7  }
0x5f: {  	v9 =	vld [tilespmem:s31+$0x7C30]  }
0x60: {  	v10 =	vld [tilespmem:s31+$0x7CA0]  }
0x61: {  	v11 =	vld [tilespmem:s31+$0x7CB0];
	v2 =	vadd.f32 v2, v5  }
0x62: {  	v3 =	vadd.f32 v3, v6  }
0x63: {  	v4 =	vadd.f32 v4, v8;
	v1 =	vadd.f32 v1, v2  }
0x64: {  	v2 =	vadd.f32 v9, v7;
	v0 =	vadd.f32 v0, v3  }
0x65: {  	v3 =	vadd.f32 v10, v4;
	[tilespmem:s30+$0x14040] =	vst v1  }
0x66: {  	v1 =	vadd.f32 v11, v2;
	[tilespmem:s30+$0x14050] =	vst v0  }
0x67: {  	[tilespmem:s30+$0x14060] =	vst v3  }
0x68: {  	s31 =	simm.s32 $0x0;
	[tilespmem:s30+$0x14070] =	vst v1  }
0x69: {  	v1 =	vld [tilespmem:s31+$0x9880]  }
0x6a: {  	v0 =	vld [tilespmem:s31+$0x9890]  }
0x6b: {  	v2 =	vld [tilespmem:s31+$0x9800]  }
0x6c: {  	v5 =	vimm.f32 $0.0e+00;
	v3 =	vld [tilespmem:s31+$0x9810]  }
0x6d: {  	s1 =	simm.s32 $0x400;
	v6 =	vimm.f32 $0.0e+00;
	v8 =	vimm.f32 $0.0e+00;
	v7 =	vimm.f32 $0.0e+00;
	v4 =	vld [tilespmem:s31+$0x9820]  }
.LBB2_9:
0x6e: {  	p0 =	sne.s32 s1, $0x6000;
	v9 =	vld [tilespmem:s31+$0x9830];
	v10 =	vmov v1  }
0x6f: {  	v11 =	vld [tilespmem:s31+$0x98A0];
	v12 =	vmov v0  }
0x70: {  	v13 =	vld [tilespmem:s31+$0x98B0];
	s31 =	sshra.s32 s1, $0x2  }
.Ltmp3:
0x71: {  	v1 =	vld [tilespmem:s31+$0x9880];
	(pc) =	sbr.rel @p0 .LBB2_9-.Ltmp3, $4  }
0x72: {  	v5 =	vadd.f32 v2, v5;
	v6 =	vadd.f32 v3, v6;
	v0 =	vld [tilespmem:s31+$0x9890]  }
0x73: {  	v8 =	vadd.f32 v4, v8;
	v2 =	vld [tilespmem:s31+$0x9800];
	v7 =	vadd.f32 v9, v7  }
0x74: {  	v5 =	vadd.f32 v10, v5;
	v6 =	vadd.f32 v12, v6;
	v3 =	vld [tilespmem:s31+$0x9810]  }
0x75: {  	s1 =	sadd.s32 $0x400, s1;
	v8 =	vadd.f32 v11, v8;
	v4 =	vld [tilespmem:s31+$0x9820];
	v7 =	vadd.f32 v13, v7  }
0x76: {  	v9 =	vld [tilespmem:s31+$0x9830]  }
0x77: {  	v10 =	vld [tilespmem:s31+$0x98A0]  }
0x78: {  	v11 =	vld [tilespmem:s31+$0x98B0];
	v2 =	vadd.f32 v2, v5  }
0x79: {  	v3 =	vadd.f32 v3, v6  }
0x7a: {  	v4 =	vadd.f32 v4, v8;
	v1 =	vadd.f32 v1, v2  }
0x7b: {  	v2 =	vadd.f32 v9, v7;
	v0 =	vadd.f32 v0, v3  }
0x7c: {  	v3 =	vadd.f32 v10, v4;
	[tilespmem:s30+$0x14080] =	vst v1  }
0x7d: {  	v1 =	vadd.f32 v11, v2;
	[tilespmem:s30+$0x14090] =	vst v0  }
0x7e: {  	[tilespmem:s30+$0x140A0] =	vst v3  }
0x7f: {  	s31 =	simm.s32 $0x0;
	[tilespmem:s30+$0x140B0] =	vst v1  }
0x80: {  	v1 =	vld [tilespmem:s31+$0xB480]  }
0x81: {  	v0 =	vld [tilespmem:s31+$0xB490]  }
0x82: {  	v2 =	vld [tilespmem:s31+$0xB400]  }
0x83: {  	v5 =	vimm.f32 $0.0e+00;
	v3 =	vld [tilespmem:s31+$0xB410]  }
0x84: {  	s1 =	simm.s32 $0x400;
	v6 =	vimm.f32 $0.0e+00;
	v8 =	vimm.f32 $0.0e+00;
	v7 =	vimm.f32 $0.0e+00;
	v4 =	vld [tilespmem:s31+$0xB420]  }
.LBB2_11:
0x85: {  	p0 =	sne.s32 s1, $0x6000;
	v9 =	vld [tilespmem:s31+$0xB430];
	v10 =	vmov v1  }
0x86: {  	v11 =	vld [tilespmem:s31+$0xB4A0];
	v12 =	vmov v0  }
0x87: {  	v13 =	vld [tilespmem:s31+$0xB4B0];
	s31 =	sshra.s32 s1, $0x2  }
.Ltmp4:
0x88: {  	v1 =	vld [tilespmem:s31+$0xB480];
	(pc) =	sbr.rel @p0 .LBB2_11-.Ltmp4, $4  }
0x89: {  	v5 =	vadd.f32 v2, v5;
	v6 =	vadd.f32 v3, v6;
	v0 =	vld [tilespmem:s31+$0xB490]  }
0x8a: {  	v8 =	vadd.f32 v4, v8;
	v2 =	vld [tilespmem:s31+$0xB400];
	v7 =	vadd.f32 v9, v7  }
0x8b: {  	v5 =	vadd.f32 v10, v5;
	v6 =	vadd.f32 v12, v6;
	v3 =	vld [tilespmem:s31+$0xB410]  }
0x8c: {  	s1 =	sadd.s32 $0x400, s1;
	v8 =	vadd.f32 v11, v8;
	v4 =	vld [tilespmem:s31+$0xB420];
	v7 =	vadd.f32 v13, v7  }
0x8d: {  	v9 =	vld [tilespmem:s31+$0xB430]  }
0x8e: {  	v10 =	vld [tilespmem:s31+$0xB4A0]  }
0x8f: {  	v11 =	vld [tilespmem:s31+$0xB4B0];
	v2 =	vadd.f32 v2, v5  }
0x90: {  	v3 =	vadd.f32 v3, v6  }
0x91: {  	v4 =	vadd.f32 v4, v8;
	v1 =	vadd.f32 v1, v2  }
0x92: {  	v2 =	vadd.f32 v9, v7;
	v0 =	vadd.f32 v0, v3  }
0x93: {  	v3 =	vadd.f32 v10, v4;
	[tilespmem:s30+$0x140C0] =	vst v1  }
0x94: {  	p0 =	seq.s32 s25, $0xF;
	v1 =	vadd.f32 v11, v2;
	[tilespmem:s30+$0x140D0] =	vst v0  }
0x95: {  	s1 =	sshrl.u32 @!p0 s29, $0x2;
	[tilespmem:s30+$0x140E0] =	vst v3  }
0x96: {  	s31 =	simm.s32 @!p0 $0x6000;
	s29 =	sadd.s32 @!p0 $0x4200, s1;
	[tilespmem:s30+$0x140F0] =	vst v1;
	s30 =	simm.s32 @!p0 $0x32  }
0x97: {  	[tilespmem:s31], [sflag:$0x1] =	stream.indirect.gather @!p0 [hbm4b:s3+s30], $0x80, s29, s30, $0xb8;
	[tilespmem:$0x16000] =	vst v63  }
0x98: {  	s29 =	sadd.s32 @!p0 $0x4240, s1;
	s31 =	simm.s32 @!p0 $0x7C00  }
0x99: {  	[tilespmem:s31], [sflag:$0x1] =	stream.indirect.gather @!p0 [hbm4b:s3+s30], $0x80, s29, s30, $0xb8;
	[tilespmem:$0x16000] =	vst v63  }
0x9a: {  	s29 =	sadd.s32 @!p0 $0x4280, s1;
	s31 =	simm.s32 @!p0 $0x9800  }
0x9b: {  	[tilespmem:s31], [sflag:$0x1] =	stream.indirect.gather @!p0 [hbm4b:s3+s30], $0x80, s29, s30, $0xb8;
	[tilespmem:$0x16000] =	vst v63  }
0x9c: {  	s1 =	sadd.s32 @!p0 $0x42C0, s1;
	s29 =	simm.s32 @!p0 $0xB400  }
0x9d: {  	[tilespmem:s29], [sflag:$0x1] =	stream.indirect.gather @!p0 [hbm4b:s3+s30], $0x80, s1, s30, $0xb8;
	[tilespmem:$0x16000] =	vst v63  }
0x9e: {  	_ =	swait.ge [sflag:s22], $0x6400  }
0x9f: {  	[sflag:s22] =	ssyncset.done $0x0  }
0xa0: {  	s29 =	simm.s32 $0x0;
	[sflag:s22] =	ssyncadd.s32 $0xFFFF9C00  }
0xa1: {  	v1 =	vld [tilespmem:s29+$0xD080]  }
0xa2: {  	v0 =	vld [tilespmem:s29+$0xD090]  }
0xa3: {  	v2 =	vld [tilespmem:s29+$0xD000]  }
0xa4: {  	v5 =	vimm.f32 $0.0e+00;
	v3 =	vld [tilespmem:s29+$0xD010]  }
0xa5: {  	v6 =	vimm.f32 $0.0e+00;
	v8 =	vimm.f32 $0.0e+00;
	v7 =	vimm.f32 $0.0e+00;
	s1 =	simm.s32 $0x400;
	v4 =	vld [tilespmem:s29+$0xD020]  }
.LBB2_13:
0xa6: {  	p0 =	sne.s32 s1, $0x6000;
	v9 =	vld [tilespmem:s29+$0xD030];
	v10 =	vmov v1  }
0xa7: {  	v11 =	vld [tilespmem:s29+$0xD0A0];
	v12 =	vmov v0  }
0xa8: {  	v13 =	vld [tilespmem:s29+$0xD0B0];
	s29 =	sshra.s32 s1, $0x2  }
.Ltmp5:
0xa9: {  	v1 =	vld [tilespmem:s29+$0xD080];
	(pc) =	sbr.rel @p0 .LBB2_13-.Ltmp5, $4  }
0xaa: {  	v5 =	vadd.f32 v2, v5;
	v6 =	vadd.f32 v3, v6;
	v0 =	vld [tilespmem:s29+$0xD090]  }
0xab: {  	v8 =	vadd.f32 v4, v8;
	v2 =	vld [tilespmem:s29+$0xD000];
	v7 =	vadd.f32 v9, v7  }
0xac: {  	v5 =	vadd.f32 v10, v5;
	v6 =	vadd.f32 v12, v6;
	v3 =	vld [tilespmem:s29+$0xD010]  }
0xad: {  	s1 =	sadd.s32 $0x400, s1;
	v8 =	vadd.f32 v11, v8;
	v4 =	vld [tilespmem:s29+$0xD020];
	v7 =	vadd.f32 v13, v7  }
0xae: {  	v9 =	vld [tilespmem:s29+$0xD030]  }
0xaf: {  	v10 =	vld [tilespmem:s29+$0xD0A0]  }
0xb0: {  	v11 =	vld [tilespmem:s29+$0xD0B0];
	v2 =	vadd.f32 v2, v5  }
0xb1: {  	v3 =	vadd.f32 v3, v6  }
0xb2: {  	v4 =	vadd.f32 v4, v8;
	v1 =	vadd.f32 v1, v2  }
0xb3: {  	v2 =	vadd.f32 v9, v7;
	v0 =	vadd.f32 v0, v3  }
0xb4: {  	v3 =	vadd.f32 v10, v4;
	[tilespmem:s26+$0x14000] =	vst v1  }
0xb5: {  	v1 =	vadd.f32 v11, v2;
	[tilespmem:s26+$0x14010] =	vst v0  }
0xb6: {  	[tilespmem:s26+$0x14020] =	vst v3  }
0xb7: {  	s29 =	simm.s32 $0x0;
	[tilespmem:s26+$0x14030] =	vst v1  }
0xb8: {  	v1 =	vld [tilespmem:s29+$0xEC80]  }
0xb9: {  	v0 =	vld [tilespmem:s29+$0xEC90]  }
0xba: {  	v2 =	vld [tilespmem:s29+$0xEC00]  }
0xbb: {  	v5 =	vimm.f32 $0.0e+00;
	v3 =	vld [tilespmem:s29+$0xEC10]  }
0xbc: {  	s1 =	simm.s32 $0x400;
	v6 =	vimm.f32 $0.0e+00;
	v8 =	vimm.f32 $0.0e+00;
	v7 =	vimm.f32 $0.0e+00;
	v4 =	vld [tilespmem:s29+$0xEC20]  }
.LBB2_15:
0xbd: {  	p0 =	sne.s32 s1, $0x6000;
	v9 =	vld [tilespmem:s29+$0xEC30];
	v10 =	vmov v1  }
0xbe: {  	v11 =	vld [tilespmem:s29+$0xECA0];
	v12 =	vmov v0  }
0xbf: {  	v13 =	vld [tilespmem:s29+$0xECB0];
	s29 =	sshra.s32 s1, $0x2  }
.Ltmp6:
0xc0: {  	v1 =	vld [tilespmem:s29+$0xEC80];
	(pc) =	sbr.rel @p0 .LBB2_15-.Ltmp6, $4  }
0xc1: {  	v5 =	vadd.f32 v2, v5;
	v6 =	vadd.f32 v3, v6;
	v0 =	vld [tilespmem:s29+$0xEC90]  }
0xc2: {  	v8 =	vadd.f32 v4, v8;
	v2 =	vld [tilespmem:s29+$0xEC00];
	v7 =	vadd.f32 v9, v7  }
0xc3: {  	v5 =	vadd.f32 v10, v5;
	v6 =	vadd.f32 v12, v6;
	v3 =	vld [tilespmem:s29+$0xEC10]  }
0xc4: {  	s1 =	sadd.s32 $0x400, s1;
	v8 =	vadd.f32 v11, v8;
	v4 =	vld [tilespmem:s29+$0xEC20];
	v7 =	vadd.f32 v13, v7  }
0xc5: {  	v9 =	vld [tilespmem:s29+$0xEC30]  }
0xc6: {  	v10 =	vld [tilespmem:s29+$0xECA0]  }
0xc7: {  	v11 =	vld [tilespmem:s29+$0xECB0];
	v2 =	vadd.f32 v2, v5  }
0xc8: {  	v3 =	vadd.f32 v3, v6  }
0xc9: {  	v4 =	vadd.f32 v4, v8;
	v1 =	vadd.f32 v1, v2  }
0xca: {  	v2 =	vadd.f32 v9, v7;
	v0 =	vadd.f32 v0, v3  }
0xcb: {  	v3 =	vadd.f32 v10, v4;
	[tilespmem:s26+$0x14040] =	vst v1  }
0xcc: {  	v1 =	vadd.f32 v11, v2;
	[tilespmem:s26+$0x14050] =	vst v0  }
0xcd: {  	[tilespmem:s26+$0x14060] =	vst v3  }
0xce: {  	s29 =	simm.s32 $0x0;
	[tilespmem:s26+$0x14070] =	vst v1  }
0xcf: {  	v1 =	vld [tilespmem:s29+$0x10880]  }
0xd0: {  	v0 =	vld [tilespmem:s29+$0x10890]  }
0xd1: {  	v2 =	vld [tilespmem:s29+$0x10800]  }
0xd2: {  	v5 =	vimm.f32 $0.0e+00;
	v3 =	vld [tilespmem:s29+$0x10810]  }
0xd3: {  	s1 =	simm.s32 $0x400;
	v6 =	vimm.f32 $0.0e+00;
	v8 =	vimm.f32 $0.0e+00;
	v7 =	vimm.f32 $0.0e+00;
	v4 =	vld [tilespmem:s29+$0x10820]  }
.LBB2_17:
0xd4: {  	p0 =	sne.s32 s1, $0x6000;
	v9 =	vld [tilespmem:s29+$0x10830];
	v10 =	vmov v1  }
0xd5: {  	v11 =	vld [tilespmem:s29+$0x108A0];
	v12 =	vmov v0  }
0xd6: {  	v13 =	vld [tilespmem:s29+$0x108B0];
	s29 =	sshra.s32 s1, $0x2  }
.Ltmp7:
0xd7: {  	v1 =	vld [tilespmem:s29+$0x10880];
	(pc) =	sbr.rel @p0 .LBB2_17-.Ltmp7, $4  }
0xd8: {  	v5 =	vadd.f32 v2, v5;
	v6 =	vadd.f32 v3, v6;
	v0 =	vld [tilespmem:s29+$0x10890]  }
0xd9: {  	v8 =	vadd.f32 v4, v8;
	v2 =	vld [tilespmem:s29+$0x10800];
	v7 =	vadd.f32 v9, v7  }
0xda: {  	v5 =	vadd.f32 v10, v5;
	v6 =	vadd.f32 v12, v6;
	v3 =	vld [tilespmem:s29+$0x10810]  }
0xdb: {  	s1 =	sadd.s32 $0x400, s1;
	v8 =	vadd.f32 v11, v8;
	v4 =	vld [tilespmem:s29+$0x10820];
	v7 =	vadd.f32 v13, v7  }
0xdc: {  	v9 =	vld [tilespmem:s29+$0x10830]  }
0xdd: {  	v10 =	vld [tilespmem:s29+$0x108A0]  }
0xde: {  	v11 =	vld [tilespmem:s29+$0x108B0];
	v2 =	vadd.f32 v2, v5  }
0xdf: {  	v3 =	vadd.f32 v3, v6  }
0xe0: {  	v4 =	vadd.f32 v4, v8;
	v1 =	vadd.f32 v1, v2  }
0xe1: {  	v2 =	vadd.f32 v9, v7;
	v0 =	vadd.f32 v0, v3  }
0xe2: {  	v3 =	vadd.f32 v10, v4;
	[tilespmem:s28+$0x14000] =	vst v1  }
0xe3: {  	v1 =	vadd.f32 v11, v2;
	[tilespmem:s26+$0x14090] =	vst v0  }
0xe4: {  	[tilespmem:s26+$0x140A0] =	vst v3  }
0xe5: {  	s28 =	simm.s32 $0x0;
	[tilespmem:s26+$0x140B0] =	vst v1  }
0xe6: {  	v1 =	vld [tilespmem:s28+$0x12480]  }
0xe7: {  	v0 =	vld [tilespmem:s28+$0x12490]  }
0xe8: {  	v2 =	vld [tilespmem:s28+$0x12400]  }
0xe9: {  	v5 =	vimm.f32 $0.0e+00;
	v3 =	vld [tilespmem:s28+$0x12410]  }
0xea: {  	s1 =	simm.s32 $0x400;
	v6 =	vimm.f32 $0.0e+00;
	v8 =	vimm.f32 $0.0e+00;
	v7 =	vimm.f32 $0.0e+00;
	v4 =	vld [tilespmem:s28+$0x12420]  }
.LBB2_19:
0xeb: {  	p0 =	sne.s32 s1, $0x6000;
	v9 =	vld [tilespmem:s28+$0x12430];
	v10 =	vmov v1  }
0xec: {  	v11 =	vld [tilespmem:s28+$0x124A0];
	v12 =	vmov v0  }
0xed: {  	v13 =	vld [tilespmem:s28+$0x124B0];
	s28 =	sshra.s32 s1, $0x2  }
.Ltmp8:
0xee: {  	v1 =	vld [tilespmem:s28+$0x12480];
	(pc) =	sbr.rel @p0 .LBB2_19-.Ltmp8, $4  }
0xef: {  	v5 =	vadd.f32 v2, v5;
	v6 =	vadd.f32 v3, v6;
	v0 =	vld [tilespmem:s28+$0x12490]  }
0xf0: {  	v8 =	vadd.f32 v4, v8;
	v2 =	vld [tilespmem:s28+$0x12400];
	v7 =	vadd.f32 v9, v7  }
0xf1: {  	v5 =	vadd.f32 v10, v5;
	v6 =	vadd.f32 v12, v6;
	v3 =	vld [tilespmem:s28+$0x12410]  }
0xf2: {  	s1 =	sadd.s32 $0x400, s1;
	v8 =	vadd.f32 v11, v8;
	v4 =	vld [tilespmem:s28+$0x12420];
	v7 =	vadd.f32 v13, v7  }
0xf3: {  	v9 =	vld [tilespmem:s28+$0x12430]  }
0xf4: {  	v10 =	vld [tilespmem:s28+$0x124A0]  }
0xf5: {  	v11 =	vld [tilespmem:s28+$0x124B0];
	v2 =	vadd.f32 v2, v5  }
0xf6: {  	s25 =	sadd.s32 $0x1, s25;
	v3 =	vadd.f32 v3, v6  }
0xf7: {  	p0 =	sne.s32 s25, $0x10;
	v4 =	vadd.f32 v4, v8;
	v1 =	vadd.f32 v1, v2  }
.Ltmp9:
0xf8: {  	v61 =	vadd.f32 v9, v7;
	v0 =	vadd.f32 v0, v3;
	(pc) =	sbr.rel @p0 .LBB2_4-.Ltmp9, $4  }
0xf9: {  	v62 =	vadd.f32 v10, v4;
	[tilespmem:s26+$0x140C0] =	vst v1  }
0xfa: {  	v63 =	vadd.f32 v11, v61;
	[tilespmem:s26+$0x140D0] =	vst v0  }
0xfb: {  	[tilespmem:s26+$0x140E0] =	vst v62  }
0xfc: {  	[tilespmem:s26+$0x140F0] =	vst v63  }
0xfd: {  	s24 =	sadd.s32 $0x1, s24  }
0xfe: {  	p0 =	sne.s32 s24, s6  }
.Ltmp10:
0xff: {  	_ = 	snop;
	(pc) =	sbr.rel @p0 .LBB2_1-.Ltmp10, $4  }
0x100: {  	[hbm4b:s5+s2] =	stream.linear.scatter [tilespmem:s23], [sflag:$0x3], $0x2000, $0x38;
	[tilespmem:$0x16000] =	vst v63  }
0x101: {  	_ =	swait.ge [sflag:s7], $0x2000  }
0x102: {  	[sflag:s7] =	ssyncset.done $0x0  }
0x103: {  	[sflag:s7] =	ssyncadd.s32 $0xFFFFE000  }
0x104: {  	_ =	sfence.sel $0x180000  }
0x105: {  	[bflag:$0x0] =	sbarrier.arrive $0xFFFF  }
0x106: {  	_ =	strace $0x90000047  }
0x107: {  	[bflag:$0x2] =	sbarrier.arrive $0xFFFF  }
0x108: {  	p0 =	sne.s32 s0, $0x0;
	s0 =	rddreg [dreg:$0x2]  }
0x109: {  	s0 =	sadd.s32 @!p0 $0x100000, s0  }
0x10a: {  	[sflag:s0] =	ssyncadd.tile.s32 @!p0 $0x1;
	_ =	shalt  }
.Lfunc_end2:
_tile_overlayer_lowered:
.L_overlay_start_2:
0x10b: {  	(tag) =	ssettag $0x2  }
0x10c: {  	s0 =	rddreg [dreg:$0x0];
	s2 =	stileid.u32  }
0x10d: {  	s1 =	rddreg [dreg:$0x1];
	p0 =	sne.s32 s2, $0x0  }
0x10e: {  	s3 =	rddreg [dreg:$0x2];
	[bflag:$0x3] =	sbarrier.arrive $0xFFFF;
	s2 =	simm.s32 @!p0 $0x1C03  }
0x10f: {  	[timem:s3], [sflag:s2] =	dma.local @!p0 [hbm:s0], s1  }
0x110: {  	s0 =	simm.s32 @!p0 $0x3  }
0x111: {  	_ =	swait.ge @!p0 [sflag:s0], s1  }
0x112: {  	s1 =	ssub.s32 @!p0 $0x0, s1;
	[sflag:s0] =	ssyncset.done @!p0 $0x0  }
0x113: {  	[sflag:s0] =	ssyncadd.s32 @!p0 s1  }
0x114: {  	[bflag:$0x3] =	sbarrier.arrive $0xFFFF  }
0x115: {  	_ =	shalt  }

</sc_bundles>
